<compile_context>
chip_gen: v7x
topology: tpu7x:2x2x1
jax: 0.10.2.dev20260603
libtpu: 0.0.44.dev20260713+nightly
codegen_flags: <defaults>
</compile_context>

<pallas_src>
import functools

import jax
import jax.numpy as jnp
from jax import lax
from jax.experimental import pallas as pl
from jax.experimental.pallas import tpu as pltpu
from jax.experimental.pallas import tpu_sc as plsc

_N_TOK = 16384
_N_EMB = 8192
_D = 32
_TBLK = 4096
_NB = _N_TOK // _TBLK



_CH = 1024
_NCH = _N_EMB // _CH


def _argmin_body(x_ref, emb_ref, idx_ref, esq_ref, iota_ref, ebf_ref):
    @pl.when(pl.program_id(0) == 0)
    def _():
        emb = emb_ref[...]
        e2 = emb * emb
        ones = jnp.ones((1, _D), jnp.float32)
        esq_ref[...] = lax.dot_general(
            ones, e2, (((1,), (1,)), ((), ())),
            precision=lax.Precision.HIGHEST,
            preferred_element_type=jnp.float32,
        )
        iota_ref[...] = lax.broadcasted_iota(
            jnp.int32, (1, 128), 1).astype(jnp.float32)
        ebf_ref[...] = emb.astype(jnp.bfloat16)

    xb = x_ref[...]
    xm2 = (xb * -2.0).astype(jnp.bfloat16)
    xsq = jnp.sum(xb * xb, axis=1, keepdims=True)
    iota = iota_ref[...]
    bv = bi = None
    for c in range(_NCH):
        ec = ebf_ref[pl.ds(c * _CH, _CH), :]
        s2c = lax.dot_general(
            xm2, ec, (((1,), (1,)), ((), ())),
            preferred_element_type=jnp.float32,
        )
        for t in range(_CH // 128):
            j0 = c * _CH + t * 128
            d = ((xsq + esq_ref[:, pl.ds(j0, 128)])
                 + s2c[:, t * 128:(t + 1) * 128])
            idxrow = iota + jnp.float32(j0)
            if bv is None:
                bv = d
                bi = idxrow + jnp.zeros_like(d)
            else:
                lt = d < bv
                bv = jnp.minimum(bv, d)
                bi = jnp.where(lt, idxrow, bi)
    gm = jnp.min(bv, axis=1, keepdims=True)
    gi = jnp.min(jnp.where(bv == gm, bi, jnp.float32(_N_EMB)), axis=1)
    idx_ref[0, 0, :] = gi.astype(jnp.int32)


def _encode(x_flat, embedding):
    return pl.pallas_call(
        _argmin_body,
        grid=(_NB,),
        in_specs=[
            pl.BlockSpec((_TBLK, _D), lambda i: (i, 0)),
            pl.BlockSpec((_N_EMB, _D), lambda i: (0, 0)),
        ],
        out_specs=pl.BlockSpec((1, 1, _TBLK), lambda i: (i, 0, 0)),
        out_shape=jax.ShapeDtypeStruct((_NB, 1, _TBLK), jnp.int32),
        scratch_shapes=[pltpu.VMEM((1, _N_EMB), jnp.float32),
                        pltpu.VMEM((1, 128), jnp.float32),
                        pltpu.VMEM((_N_EMB, _D), jnp.bfloat16)],
    )(x_flat, embedding)



_IDX_COLS = 128
_IDX_ROWS = _N_TOK // _IDX_COLS
_NW = 32
_ROWS_PER_W = _IDX_ROWS // _NW
_B_PER_W = _N_TOK // _NW


@functools.cache
def _make_sc_gather():
    @functools.partial(
        pl.kernel,
        out_type=jax.ShapeDtypeStruct((_N_TOK, _D), jnp.float32),
        mesh=plsc.VectorSubcoreMesh(core_axis_name="c", subcore_axis_name="s"),
        scratch_types=[
            pltpu.VMEM((_ROWS_PER_W, _IDX_COLS), jnp.int32),
            pltpu.VMEM((_B_PER_W, _D), jnp.float32),
            pltpu.SemaphoreType.DMA,
        ],
        compiler_params=pltpu.CompilerParams(use_tc_tiling_on_sc=False),
    )
    def _sc_gather(table_hbm, idx_hbm, out_hbm, idx_v, rows_v, sem):
        wid = lax.axis_index("s") * 2 + lax.axis_index("c")
        base = wid * _B_PER_W
        pltpu.sync_copy(idx_hbm.at[pl.ds(wid * _ROWS_PER_W, _ROWS_PER_W)], idx_v)
        copies = [
            pltpu.async_copy(
                table_hbm.at[idx_v.at[j]],
                rows_v.at[pl.ds(j * _IDX_COLS, _IDX_COLS)],
                sem,
            )
            for j in range(_ROWS_PER_W)
        ]
        for cp in copies:
            cp.wait()
        pltpu.sync_copy(rows_v, out_hbm.at[pl.ds(base, _B_PER_W)])

    return _sc_gather


def kernel(x, embedding):
    b, h, w, c = x.shape
    x_flat = jnp.reshape(x, (b * h * w, c))
    idx = _encode(x_flat, embedding)
    idx2 = jnp.reshape(idx, (_IDX_ROWS, _IDX_COLS))
    quantized = _make_sc_gather()(embedding, idx2)
    quantized = quantized.astype(jnp.bfloat16).astype(jnp.float32)
    return jnp.reshape(quantized, (b, h, w, c))

# --- scband reference (transcript-rebuilt; emitter-appended) ---
"""Pipeline reference for scband-vector-quantizer-16303695856141 (READ-ONLY COPY).

The authoritative reference and input builder live on the scoring server;
editing this copy changes nothing except your own understanding.
"""

import jax, jax.numpy as jnp
import numpy as np

N_EMBEDDINGS = 8192
N_LATENT = 32

def setup_inputs(seed: int = 0) -> dict:
    key = jax.random.key(seed)
    kx, ke = jax.random.split(key)
    x = jax.random.normal(kx, (16, 32, 32, 32), dtype=jnp.float32)
    # flax nn.initializers.uniform() default scale=1e-2, range [0, 0.01)
    embedding = jax.random.uniform(ke, (N_EMBEDDINGS, N_LATENT), dtype=jnp.float32, minval=0.0, maxval=0.01)
    return {"x": x, "embedding": embedding}

def reference(x, embedding):
    b, h, w, c = x.shape
    n_embeddings = embedding.shape[0]
    x_flatten = jnp.reshape(x, (b * h * w, c))
    dist = (jnp.sum(x_flatten ** 2, axis=1, keepdims=True)
            + jnp.sum(embedding ** 2, axis=1)
            - 2 * jnp.dot(x_flatten, embedding.T))
    encoding_indices = jnp.argmin(dist, axis=1)
    encodings = jax.nn.one_hot(encoding_indices, n_embeddings)
    encodings = jnp.reshape(encodings, (b, h, w, n_embeddings))
    quantized = jnp.reshape(jnp.dot(encodings, embedding), (b, h, w, c))
    return quantized

if __name__ == "__main__":
    import jax
    _d = setup_inputs()
    print(jax.jit(kernel)(*tuple(_d.values())))

</pallas_src>

<mosaic_0001>
#map = affine_map<(d0, d1) -> (0, 0)>
module attributes {stable_mosaic.version = 14 : i64} {
  func.func @_sc_gather(%arg0: i32, %arg1: i32, %arg2: memref<8192x32xf32, #tpu.memory_space<hbm>>, %arg3: memref<128x128xi32, #tpu.memory_space<hbm>>, %arg4: memref<16384x32xf32, #tpu.memory_space<hbm>>, %arg5: memref<4x128xi32, #tpu.memory_space<vmem>>, %arg6: memref<512x32xf32, #tpu.memory_space<vmem>>, %arg7: memref<!tpu.dma_semaphore, #tpu.memory_space<semaphore_mem>>) attributes {dimension_semantics = [#tpu.dimension_semantics<core_parallel>, #tpu.dimension_semantics<subcore_parallel>], iteration_bounds = array<i64: 2, 16>, scalar_prefetch = 0 : i64, scratch_operands = 3 : i64, tpu.core_type = #tpu.core_type<sc_vector_subcore>, window_params = [{transform_indices = #map}, {transform_indices = #map}, {transform_indices = #map}]} {
    %mul3A = arith.constant 2 : i32
    %mul3A_0 = arith.muli %arg1, %mul3A : i32
    %add3A = arith.addi %mul3A_0, %arg0 : i32
    %mul3A_1 = arith.constant 512 : i32
    %mul3A_2 = arith.muli %add3A, %mul3A_1 : i32
    %mul3A_3 = arith.constant 4 : i32
    %mul3A_4 = arith.muli %add3A, %mul3A_3 : i32
    "tpu.region"() ({
      %run_scoped3A = tpu.sem_alloc : memref<!tpu.dma_semaphore, #tpu.memory_space<semaphore_mem>>
      %dma_start3A_83 = arith.constant 0 : i32
      %dma_start3A_84 = tpu.memref_slice %arg3[%mul3A_4, %dma_start3A_83] : memref<128x128xi32, #tpu.memory_space<hbm>> -> memref<4x128xi32, #tpu.memory_space<hbm>>
      %dma_start3A_85 = arith.constant 0 : i32
      %dma_start3A_86 = tpu.memref_slice %arg3[%mul3A_4, %dma_start3A_85] : memref<128x128xi32, #tpu.memory_space<hbm>> -> memref<4x128xi32, #tpu.memory_space<hbm>>
      tpu.enqueue_dma source(%dma_start3A_86 : memref<4x128xi32, #tpu.memory_space<hbm>>) target(%arg5 : memref<4x128xi32, #tpu.memory_space<vmem>>) target_semaphore(%run_scoped3A : memref<!tpu.dma_semaphore, #tpu.memory_space<semaphore_mem>>)
      %dma_wait3A_87 = arith.constant 0 : i32
      %dma_wait3A_88 = tpu.memref_slice %arg3[%mul3A_4, %dma_wait3A_87] : memref<128x128xi32, #tpu.memory_space<hbm>> -> memref<4x128xi32, #tpu.memory_space<hbm>>
      %dma_wait3A_89 = arith.constant 0 : i32
      %dma_wait3A_90 = tpu.memref_slice %arg3[%mul3A_4, %dma_wait3A_89] : memref<128x128xi32, #tpu.memory_space<hbm>> -> memref<4x128xi32, #tpu.memory_space<hbm>>
      tpu.wait_dma2 semaphore(%run_scoped3A : memref<!tpu.dma_semaphore, #tpu.memory_space<semaphore_mem>>) src(%dma_wait3A_90 : memref<4x128xi32, #tpu.memory_space<hbm>>) dst(%arg5 : memref<4x128xi32, #tpu.memory_space<vmem>>)
      tpu.yield
    }) : () -> ()
    %dma_start3A = arith.constant 0 : i32
    %dma_start3A_5 = arith.constant 0 : i32
    %dma_start3A_6 = arith.constant 0 : i32
    %dma_start3A_7 = tpu.memref_slice %arg6[%dma_start3A_5, %dma_start3A_6] : memref<512x32xf32, #tpu.memory_space<vmem>> -> memref<128x32xf32, #tpu.memory_space<vmem>>
    %dma_start3A_8 = arith.constant 0 : i32
    %dma_start3A_9 = tpu.memref_slice %arg5[%dma_start3A, %dma_start3A_8] : memref<4x128xi32, #tpu.memory_space<vmem>> -> memref<1x128xi32, #tpu.memory_space<vmem>>
    %dma_start3A_10 = tpu.memref_squeeze %dma_start3A_9 : memref<1x128xi32, #tpu.memory_space<vmem>> -> memref<128xi32, #tpu.memory_space<vmem>>
    %dma_start3A_11 = arith.constant 0 : i32
    %dma_start3A_12 = arith.constant 0 : i32
    %dma_start3A_13 = tpu.memref_slice %arg2[%dma_start3A_11, %dma_start3A_12] : memref<8192x32xf32, #tpu.memory_space<hbm>> -> memref<8192x32xf32, #tpu.memory_space<hbm>>
    tpu.enqueue_indirect_dma source(%dma_start3A_13 : memref<8192x32xf32, #tpu.memory_space<hbm>>) target(%dma_start3A_7 : memref<128x32xf32, #tpu.memory_space<vmem>>) offsets(%dma_start3A_10 : memref<128xi32, #tpu.memory_space<vmem>>) semaphore(%arg7 : memref<!tpu.dma_semaphore, #tpu.memory_space<semaphore_mem>>)
    %dma_start3A_14 = arith.constant 1 : i32
    %dma_start3A_15 = arith.constant 128 : i32
    %dma_start3A_16 = arith.constant 0 : i32
    %dma_start3A_17 = tpu.memref_slice %arg6[%dma_start3A_15, %dma_start3A_16] : memref<512x32xf32, #tpu.memory_space<vmem>> -> memref<128x32xf32, #tpu.memory_space<vmem>>
    %dma_start3A_18 = arith.constant 0 : i32
    %dma_start3A_19 = tpu.memref_slice %arg5[%dma_start3A_14, %dma_start3A_18] : memref<4x128xi32, #tpu.memory_space<vmem>> -> memref<1x128xi32, #tpu.memory_space<vmem>>
    %dma_start3A_20 = tpu.memref_squeeze %dma_start3A_19 : memref<1x128xi32, #tpu.memory_space<vmem>> -> memref<128xi32, #tpu.memory_space<vmem>>
    %dma_start3A_21 = arith.constant 0 : i32
    %dma_start3A_22 = arith.constant 0 : i32
    %dma_start3A_23 = tpu.memref_slice %arg2[%dma_start3A_21, %dma_start3A_22] : memref<8192x32xf32, #tpu.memory_space<hbm>> -> memref<8192x32xf32, #tpu.memory_space<hbm>>
    tpu.enqueue_indirect_dma source(%dma_start3A_23 : memref<8192x32xf32, #tpu.memory_space<hbm>>) target(%dma_start3A_17 : memref<128x32xf32, #tpu.memory_space<vmem>>) offsets(%dma_start3A_20 : memref<128xi32, #tpu.memory_space<vmem>>) semaphore(%arg7 : memref<!tpu.dma_semaphore, #tpu.memory_space<semaphore_mem>>)
    %dma_start3A_24 = arith.constant 2 : i32
    %dma_start3A_25 = arith.constant 256 : i32
    %dma_start3A_26 = arith.constant 0 : i32
    %dma_start3A_27 = tpu.memref_slice %arg6[%dma_start3A_25, %dma_start3A_26] : memref<512x32xf32, #tpu.memory_space<vmem>> -> memref<128x32xf32, #tpu.memory_space<vmem>>
    %dma_start3A_28 = arith.constant 0 : i32
    %dma_start3A_29 = tpu.memref_slice %arg5[%dma_start3A_24, %dma_start3A_28] : memref<4x128xi32, #tpu.memory_space<vmem>> -> memref<1x128xi32, #tpu.memory_space<vmem>>
    %dma_start3A_30 = tpu.memref_squeeze %dma_start3A_29 : memref<1x128xi32, #tpu.memory_space<vmem>> -> memref<128xi32, #tpu.memory_space<vmem>>
    %dma_start3A_31 = arith.constant 0 : i32
    %dma_start3A_32 = arith.constant 0 : i32
    %dma_start3A_33 = tpu.memref_slice %arg2[%dma_start3A_31, %dma_start3A_32] : memref<8192x32xf32, #tpu.memory_space<hbm>> -> memref<8192x32xf32, #tpu.memory_space<hbm>>
    tpu.enqueue_indirect_dma source(%dma_start3A_33 : memref<8192x32xf32, #tpu.memory_space<hbm>>) target(%dma_start3A_27 : memref<128x32xf32, #tpu.memory_space<vmem>>) offsets(%dma_start3A_30 : memref<128xi32, #tpu.memory_space<vmem>>) semaphore(%arg7 : memref<!tpu.dma_semaphore, #tpu.memory_space<semaphore_mem>>)
    %dma_start3A_34 = arith.constant 3 : i32
    %dma_start3A_35 = arith.constant 384 : i32
    %dma_start3A_36 = arith.constant 0 : i32
    %dma_start3A_37 = tpu.memref_slice %arg6[%dma_start3A_35, %dma_start3A_36] : memref<512x32xf32, #tpu.memory_space<vmem>> -> memref<128x32xf32, #tpu.memory_space<vmem>>
    %dma_start3A_38 = arith.constant 0 : i32
    %dma_start3A_39 = tpu.memref_slice %arg5[%dma_start3A_34, %dma_start3A_38] : memref<4x128xi32, #tpu.memory_space<vmem>> -> memref<1x128xi32, #tpu.memory_space<vmem>>
    %dma_start3A_40 = tpu.memref_squeeze %dma_start3A_39 : memref<1x128xi32, #tpu.memory_space<vmem>> -> memref<128xi32, #tpu.memory_space<vmem>>
    %dma_start3A_41 = arith.constant 0 : i32
    %dma_start3A_42 = arith.constant 0 : i32
    %dma_start3A_43 = tpu.memref_slice %arg2[%dma_start3A_41, %dma_start3A_42] : memref<8192x32xf32, #tpu.memory_space<hbm>> -> memref<8192x32xf32, #tpu.memory_space<hbm>>
    tpu.enqueue_indirect_dma source(%dma_start3A_43 : memref<8192x32xf32, #tpu.memory_space<hbm>>) target(%dma_start3A_37 : memref<128x32xf32, #tpu.memory_space<vmem>>) offsets(%dma_start3A_40 : memref<128xi32, #tpu.memory_space<vmem>>) semaphore(%arg7 : memref<!tpu.dma_semaphore, #tpu.memory_space<semaphore_mem>>)
    %dma_wait3A = arith.constant 0 : i32
    %dma_wait3A_44 = arith.constant 0 : i32
    %dma_wait3A_45 = arith.constant 0 : i32
    %dma_wait3A_46 = tpu.memref_slice %arg6[%dma_wait3A_44, %dma_wait3A_45] : memref<512x32xf32, #tpu.memory_space<vmem>> -> memref<128x32xf32, #tpu.memory_space<vmem>>
    %dma_wait3A_47 = arith.constant 0 : i32
    %dma_wait3A_48 = tpu.memref_slice %arg5[%dma_wait3A, %dma_wait3A_47] : memref<4x128xi32, #tpu.memory_space<vmem>> -> memref<1x128xi32, #tpu.memory_space<vmem>>
    %dma_wait3A_49 = tpu.memref_squeeze %dma_wait3A_48 : memref<1x128xi32, #tpu.memory_space<vmem>> -> memref<128xi32, #tpu.memory_space<vmem>>
    %dma_wait3A_50 = arith.constant 0 : i32
    %dma_wait3A_51 = arith.constant 0 : i32
    %dma_wait3A_52 = tpu.memref_slice %arg2[%dma_wait3A_50, %dma_wait3A_51] : memref<8192x32xf32, #tpu.memory_space<hbm>> -> memref<8192x32xf32, #tpu.memory_space<hbm>>
    tpu.wait_indirect_dma semaphore(%arg7 : memref<!tpu.dma_semaphore, #tpu.memory_space<semaphore_mem>>) src(%dma_wait3A_52 : memref<8192x32xf32, #tpu.memory_space<hbm>>) dst(%dma_wait3A_46 : memref<128x32xf32, #tpu.memory_space<vmem>>)
    %dma_wait3A_53 = arith.constant 1 : i32
    %dma_wait3A_54 = arith.constant 128 : i32
    %dma_wait3A_55 = arith.constant 0 : i32
    %dma_wait3A_56 = tpu.memref_slice %arg6[%dma_wait3A_54, %dma_wait3A_55] : memref<512x32xf32, #tpu.memory_space<vmem>> -> memref<128x32xf32, #tpu.memory_space<vmem>>
    %dma_wait3A_57 = arith.constant 0 : i32
    %dma_wait3A_58 = tpu.memref_slice %arg5[%dma_wait3A_53, %dma_wait3A_57] : memref<4x128xi32, #tpu.memory_space<vmem>> -> memref<1x128xi32, #tpu.memory_space<vmem>>
    %dma_wait3A_59 = tpu.memref_squeeze %dma_wait3A_58 : memref<1x128xi32, #tpu.memory_space<vmem>> -> memref<128xi32, #tpu.memory_space<vmem>>
    %dma_wait3A_60 = arith.constant 0 : i32
    %dma_wait3A_61 = arith.constant 0 : i32
    %dma_wait3A_62 = tpu.memref_slice %arg2[%dma_wait3A_60, %dma_wait3A_61] : memref<8192x32xf32, #tpu.memory_space<hbm>> -> memref<8192x32xf32, #tpu.memory_space<hbm>>
    tpu.wait_indirect_dma semaphore(%arg7 : memref<!tpu.dma_semaphore, #tpu.memory_space<semaphore_mem>>) src(%dma_wait3A_62 : memref<8192x32xf32, #tpu.memory_space<hbm>>) dst(%dma_wait3A_56 : memref<128x32xf32, #tpu.memory_space<vmem>>)
    %dma_wait3A_63 = arith.constant 2 : i32
    %dma_wait3A_64 = arith.constant 256 : i32
    %dma_wait3A_65 = arith.constant 0 : i32
    %dma_wait3A_66 = tpu.memref_slice %arg6[%dma_wait3A_64, %dma_wait3A_65] : memref<512x32xf32, #tpu.memory_space<vmem>> -> memref<128x32xf32, #tpu.memory_space<vmem>>
    %dma_wait3A_67 = arith.constant 0 : i32
    %dma_wait3A_68 = tpu.memref_slice %arg5[%dma_wait3A_63, %dma_wait3A_67] : memref<4x128xi32, #tpu.memory_space<vmem>> -> memref<1x128xi32, #tpu.memory_space<vmem>>
    %dma_wait3A_69 = tpu.memref_squeeze %dma_wait3A_68 : memref<1x128xi32, #tpu.memory_space<vmem>> -> memref<128xi32, #tpu.memory_space<vmem>>
    %dma_wait3A_70 = arith.constant 0 : i32
    %dma_wait3A_71 = arith.constant 0 : i32
    %dma_wait3A_72 = tpu.memref_slice %arg2[%dma_wait3A_70, %dma_wait3A_71] : memref<8192x32xf32, #tpu.memory_space<hbm>> -> memref<8192x32xf32, #tpu.memory_space<hbm>>
    tpu.wait_indirect_dma semaphore(%arg7 : memref<!tpu.dma_semaphore, #tpu.memory_space<semaphore_mem>>) src(%dma_wait3A_72 : memref<8192x32xf32, #tpu.memory_space<hbm>>) dst(%dma_wait3A_66 : memref<128x32xf32, #tpu.memory_space<vmem>>)
    %dma_wait3A_73 = arith.constant 3 : i32
    %dma_wait3A_74 = arith.constant 384 : i32
    %dma_wait3A_75 = arith.constant 0 : i32
    %dma_wait3A_76 = tpu.memref_slice %arg6[%dma_wait3A_74, %dma_wait3A_75] : memref<512x32xf32, #tpu.memory_space<vmem>> -> memref<128x32xf32, #tpu.memory_space<vmem>>
    %dma_wait3A_77 = arith.constant 0 : i32
    %dma_wait3A_78 = tpu.memref_slice %arg5[%dma_wait3A_73, %dma_wait3A_77] : memref<4x128xi32, #tpu.memory_space<vmem>> -> memref<1x128xi32, #tpu.memory_space<vmem>>
    %dma_wait3A_79 = tpu.memref_squeeze %dma_wait3A_78 : memref<1x128xi32, #tpu.memory_space<vmem>> -> memref<128xi32, #tpu.memory_space<vmem>>
    %dma_wait3A_80 = arith.constant 0 : i32
    %dma_wait3A_81 = arith.constant 0 : i32
    %dma_wait3A_82 = tpu.memref_slice %arg2[%dma_wait3A_80, %dma_wait3A_81] : memref<8192x32xf32, #tpu.memory_space<hbm>> -> memref<8192x32xf32, #tpu.memory_space<hbm>>
    tpu.wait_indirect_dma semaphore(%arg7 : memref<!tpu.dma_semaphore, #tpu.memory_space<semaphore_mem>>) src(%dma_wait3A_82 : memref<8192x32xf32, #tpu.memory_space<hbm>>) dst(%dma_wait3A_76 : memref<128x32xf32, #tpu.memory_space<vmem>>)
    "tpu.region"() ({
      %run_scoped3A = tpu.sem_alloc : memref<!tpu.dma_semaphore, #tpu.memory_space<semaphore_mem>>
      %dma_start3A_83 = arith.constant 0 : i32
      %dma_start3A_84 = tpu.memref_slice %arg4[%mul3A_2, %dma_start3A_83] : memref<16384x32xf32, #tpu.memory_space<hbm>> -> memref<512x32xf32, #tpu.memory_space<hbm>>
      %dma_start3A_85 = arith.constant 0 : i32
      %dma_start3A_86 = tpu.memref_slice %arg4[%mul3A_2, %dma_start3A_85] : memref<16384x32xf32, #tpu.memory_space<hbm>> -> memref<512x32xf32, #tpu.memory_space<hbm>>
      tpu.enqueue_dma source(%arg6 : memref<512x32xf32, #tpu.memory_space<vmem>>) target(%dma_start3A_86 : memref<512x32xf32, #tpu.memory_space<hbm>>) target_semaphore(%run_scoped3A : memref<!tpu.dma_semaphore, #tpu.memory_space<semaphore_mem>>)
      %dma_wait3A_87 = arith.constant 0 : i32
      %dma_wait3A_88 = tpu.memref_slice %arg4[%mul3A_2, %dma_wait3A_87] : memref<16384x32xf32, #tpu.memory_space<hbm>> -> memref<512x32xf32, #tpu.memory_space<hbm>>
      %dma_wait3A_89 = arith.constant 0 : i32
      %dma_wait3A_90 = tpu.memref_slice %arg4[%mul3A_2, %dma_wait3A_89] : memref<16384x32xf32, #tpu.memory_space<hbm>> -> memref<512x32xf32, #tpu.memory_space<hbm>>
      tpu.wait_dma2 semaphore(%run_scoped3A : memref<!tpu.dma_semaphore, #tpu.memory_space<semaphore_mem>>) src(%arg6 : memref<512x32xf32, #tpu.memory_space<vmem>>) dst(%dma_wait3A_90 : memref<512x32xf32, #tpu.memory_space<hbm>>)
      tpu.yield
    }) : () -> ()
    return
  }
}

module attributes {stable_mosaic.version = 14 : i64} {
  func.func @_argmin_body(%arg0: i32, %arg1: memref<4096x32xf32, #tpu.memory_space<vmem>>, %arg2: memref<8192x32xf32, #tpu.memory_space<vmem>>, %arg3: memref<1x1x4096xi32, #tpu.memory_space<vmem>>, %arg4: memref<1x8192xf32, #tpu.memory_space<vmem>>, %arg5: memref<1x128xf32, #tpu.memory_space<vmem>>, %arg6: memref<8192x32xbf16, #tpu.memory_space<vmem>>) attributes {dimension_semantics = [#tpu.dimension_semantics<arbitrary>], iteration_bounds = array<i64: 4>, scalar_prefetch = 0 : i64, scratch_operands = 3 : i64, tpu.core_type = #tpu.core_type<tc>, window_params = [{transform_indices = @transform_0, window_bounds = array<i64: 4096, 32>}, {pipeline_mode = #tpu.pipeline_mode<synchronous>, transform_indices = @transform_1, window_bounds = array<i64: 8192, 32>}, {transform_indices = @transform_2, window_bounds = array<i64: 1, 1, 4096>}]} {
    %eq3A = arith.constant 0 : i32
    %eq3A_0 = arith.cmpi eq, %arg0, %eq3A : i32
    %convert_element_type3A = arith.extui %eq3A_0 : i1 to i32
    %cond3A = arith.constant 0 : i32
    %cond3A_1 = arith.cmpi ne, %convert_element_type3A, %cond3A : i32
    scf.if %cond3A_1 {
      %get3A_1083 = arith.constant 0 : index
      %get3A_1084 = arith.constant 0 : index
      %get3A_1085 = vector.load %arg2[%get3A_1083, %get3A_1084] : memref<8192x32xf32, #tpu.memory_space<vmem>>, vector<8192x32xf32>
      %mul3A_1086 = arith.mulf %get3A_1085, %get3A_1085 : vector<8192x32xf32>
      %broadcast_in_dim3A_1087 = arith.constant 1.000000e+00 : f32
      %broadcast_in_dim3A_1088 = vector.broadcast %broadcast_in_dim3A_1087 : f32 to vector<1x32xf32>
      %dot_general3A_1089 = arith.constant dense<0.000000e+00> : vector<1x8192xf32>
      %dot_general3A_1090 = tpu.matmul %broadcast_in_dim3A_1088, %mul3A_1086, %dot_general3A_1089 {dimension_numbers = #tpu.dot_dimension_numbers<[1], [1], [0], [0], [0, 0, 1, 0], [], []>, precision = #tpu.contract_precision<fp32>, transpose_lhs_hint = false} : vector<1x32xf32>, vector<8192x32xf32>, vector<1x8192xf32> -> vector<1x8192xf32>
      %swap3A_1091 = arith.constant 0 : index
      %swap3A_1092 = arith.constant 0 : index
      %swap3A_1093 = vector.load %arg4[%swap3A_1091, %swap3A_1092] : memref<1x8192xf32, #tpu.memory_space<vmem>>, vector<1x8192xf32>
      tpu.vector_store %arg4[%swap3A_1091, %swap3A_1092], %dot_general3A_1090 {strides = array<i32>} : memref<1x8192xf32, #tpu.memory_space<vmem>>, vector<1x8192xf32>,
      %iota3A = tpu.iota {dimensions = array<i32: 1>} : vector<1x128xi32>
      %convert_element_type3A_1094 = arith.sitofp %iota3A : vector<1x128xi32> to vector<1x128xf32>
      %swap3A_1095 = arith.constant 0 : index
      %swap3A_1096 = arith.constant 0 : index
      %swap3A_1097 = vector.load %arg5[%swap3A_1095, %swap3A_1096] : memref<1x128xf32, #tpu.memory_space<vmem>>, vector<1x128xf32>
      tpu.vector_store %arg5[%swap3A_1095, %swap3A_1096], %convert_element_type3A_1094 {strides = array<i32>} : memref<1x128xf32, #tpu.memory_space<vmem>>, vector<1x128xf32>,
      %convert_element_type3A_1098 = arith.truncf %get3A_1085 : vector<8192x32xf32> to vector<8192x32xbf16>
      %swap3A_1099 = arith.constant 0 : index
      %swap3A_1100 = arith.constant 0 : index
      %swap3A_1101 = vector.load %arg6[%swap3A_1099, %swap3A_1100] : memref<8192x32xbf16, #tpu.memory_space<vmem>>, vector<8192x32xbf16>
      tpu.vector_store %arg6[%swap3A_1099, %swap3A_1100], %convert_element_type3A_1098 {strides = array<i32>} : memref<8192x32xbf16, #tpu.memory_space<vmem>>, vector<8192x32xbf16>,
    } else {
    }
    %get3A = arith.constant 0 : index
    %get3A_2 = arith.constant 0 : index
    %get3A_3 = vector.load %arg1[%get3A, %get3A_2] : memref<4096x32xf32, #tpu.memory_space<vmem>>, vector<4096x32xf32>
    %mul3A = arith.constant -2.000000e+00 : f32
    %mul3A_4 = vector.broadcast %mul3A : f32 to vector<4096x32xf32>
    %mul3A_5 = arith.mulf %get3A_3, %mul3A_4 : vector<4096x32xf32>
    %convert_element_type3A_6 = arith.truncf %mul3A_5 : vector<4096x32xf32> to vector<4096x32xbf16>
    %mul3A_7 = arith.mulf %get3A_3, %get3A_3 : vector<4096x32xf32>
    %reduce_sum3A = arith.constant dense<0.000000e+00> : vector<4096xf32>
    %reduce_sum3A_8 = vector.multi_reduction <add>, %mul3A_7, %reduce_sum3A [1] : vector<4096x32xf32> to vector<4096xf32>
    %broadcast_in_dim3A = vector.shape_cast %reduce_sum3A_8 : vector<4096xf32> to vector<4096x1xf32>
    %get3A_9 = arith.constant 0 : index
    %get3A_10 = arith.constant 0 : index
    %get3A_11 = vector.load %arg5[%get3A_9, %get3A_10] : memref<1x128xf32, #tpu.memory_space<vmem>>, vector<1x128xf32>
    %get3A_12 = arith.constant 0 : index
    %get3A_13 = arith.constant 0 : index
    %get3A_14 = vector.load %arg6[%get3A_12, %get3A_13] : memref<8192x32xbf16, #tpu.memory_space<vmem>>, vector<1024x32xbf16>
    %dot_general3A = arith.constant dense<0.000000e+00> : vector<4096x1024xf32>
    %dot_general3A_15 = tpu.matmul %convert_element_type3A_6, %get3A_14, %dot_general3A {dimension_numbers = #tpu.dot_dimension_numbers<[1], [1], [0], [0], [0, 0, 1, 0], [], []>, transpose_lhs_hint = false} : vector<4096x32xbf16>, vector<1024x32xbf16>, vector<4096x1024xf32> -> vector<4096x1024xf32>
    %get3A_16 = arith.constant 0 : index
    %get3A_17 = arith.constant 0 : index
    %get3A_18 = vector.load %arg4[%get3A_16, %get3A_17] : memref<1x8192xf32, #tpu.memory_space<vmem>>, vector<1x128xf32>
    %add3A = vector.broadcast %broadcast_in_dim3A : vector<4096x1xf32> to vector<4096x128xf32>
    %add3A_19 = vector.broadcast %get3A_18 : vector<1x128xf32> to vector<4096x128xf32>
    %add3A_20 = arith.addf %add3A, %add3A_19 : vector<4096x128xf32>
    %slice3A = vector.extract_strided_slice %dot_general3A_15 {offsets = [0, 0], sizes = [4096, 128], strides = [1, 1]} : vector<4096x1024xf32> to vector<4096x128xf32>
    %add3A_21 = arith.addf %add3A_20, %slice3A : vector<4096x128xf32>
    %add3A_22 = arith.constant 0.000000e+00 : f32
    %add3A_23 = vector.broadcast %add3A_22 : f32 to vector<1x128xf32>
    %add3A_24 = arith.addf %get3A_11, %add3A_23 : vector<1x128xf32>
    %broadcast_in_dim3A_25 = arith.constant 0.000000e+00 : f32
    %broadcast_in_dim3A_26 = vector.broadcast %broadcast_in_dim3A_25 : f32 to vector<4096x128xf32>
    %add3A_27 = vector.broadcast %add3A_24 : vector<1x128xf32> to vector<4096x128xf32>
    %add3A_28 = arith.addf %add3A_27, %broadcast_in_dim3A_26 : vector<4096x128xf32>
    %get3A_29 = arith.constant 0 : index
    %get3A_30 = arith.constant 128 : index
    %get3A_31 = vector.load %arg4[%get3A_29, %get3A_30] : memref<1x8192xf32, #tpu.memory_space<vmem>>, vector<1x128xf32>
    %add3A_32 = vector.broadcast %broadcast_in_dim3A : vector<4096x1xf32> to vector<4096x128xf32>
    %add3A_33 = vector.broadcast %get3A_31 : vector<1x128xf32> to vector<4096x128xf32>
    %add3A_34 = arith.addf %add3A_32, %add3A_33 : vector<4096x128xf32>
    %slice3A_35 = vector.extract_strided_slice %dot_general3A_15 {offsets = [0, 128], sizes = [4096, 128], strides = [1, 1]} : vector<4096x1024xf32> to vector<4096x128xf32>
    %add3A_36 = arith.addf %add3A_34, %slice3A_35 : vector<4096x128xf32>
    %add3A_37 = arith.constant 1.280000e+02 : f32
    %add3A_38 = vector.broadcast %add3A_37 : f32 to vector<1x128xf32>
    %add3A_39 = arith.addf %get3A_11, %add3A_38 : vector<1x128xf32>
    %lt3A = arith.cmpf olt, %add3A_36, %add3A_21 : vector<4096x128xf32>
    %min3A = arith.minimumf %add3A_21, %add3A_36 : vector<4096x128xf32>
    %broadcast_in_dim3A_40 = vector.shape_cast %add3A_39 : vector<1x128xf32> to vector<1x128xf32>
    %broadcast_in_dim3A_41 = vector.broadcast %broadcast_in_dim3A_40 : vector<1x128xf32> to vector<4096x128xf32>
    %select_n3A = arith.select %lt3A, %broadcast_in_dim3A_41, %add3A_28 : vector<4096x128xi1>, vector<4096x128xf32>
    %get3A_42 = arith.constant 0 : index
    %get3A_43 = arith.constant 256 : index
    %get3A_44 = vector.load %arg4[%get3A_42, %get3A_43] : memref<1x8192xf32, #tpu.memory_space<vmem>>, vector<1x128xf32>
    %add3A_45 = vector.broadcast %broadcast_in_dim3A : vector<4096x1xf32> to vector<4096x128xf32>
    %add3A_46 = vector.broadcast %get3A_44 : vector<1x128xf32> to vector<4096x128xf32>
    %add3A_47 = arith.addf %add3A_45, %add3A_46 : vector<4096x128xf32>
    %slice3A_48 = vector.extract_strided_slice %dot_general3A_15 {offsets = [0, 256], sizes = [4096, 128], strides = [1, 1]} : vector<4096x1024xf32> to vector<4096x128xf32>
    %add3A_49 = arith.addf %add3A_47, %slice3A_48 : vector<4096x128xf32>
    %add3A_50 = arith.constant 2.560000e+02 : f32
    %add3A_51 = vector.broadcast %add3A_50 : f32 to vector<1x128xf32>
    %add3A_52 = arith.addf %get3A_11, %add3A_51 : vector<1x128xf32>
    %lt3A_53 = arith.cmpf olt, %add3A_49, %min3A : vector<4096x128xf32>
    %min3A_54 = arith.minimumf %min3A, %add3A_49 : vector<4096x128xf32>
    %broadcast_in_dim3A_55 = vector.shape_cast %add3A_52 : vector<1x128xf32> to vector<1x128xf32>
    %broadcast_in_dim3A_56 = vector.broadcast %broadcast_in_dim3A_55 : vector<1x128xf32> to vector<4096x128xf32>
    %select_n3A_57 = arith.select %lt3A_53, %broadcast_in_dim3A_56, %select_n3A : vector<4096x128xi1>, vector<4096x128xf32>
    %get3A_58 = arith.constant 0 : index
    %get3A_59 = arith.constant 384 : index
    %get3A_60 = vector.load %arg4[%get3A_58, %get3A_59] : memref<1x8192xf32, #tpu.memory_space<vmem>>, vector<1x128xf32>
    %add3A_61 = vector.broadcast %broadcast_in_dim3A : vector<4096x1xf32> to vector<4096x128xf32>
    %add3A_62 = vector.broadcast %get3A_60 : vector<1x128xf32> to vector<4096x128xf32>
    %add3A_63 = arith.addf %add3A_61, %add3A_62 : vector<4096x128xf32>
    %slice3A_64 = vector.extract_strided_slice %dot_general3A_15 {offsets = [0, 384], sizes = [4096, 128], strides = [1, 1]} : vector<4096x1024xf32> to vector<4096x128xf32>
    %add3A_65 = arith.addf %add3A_63, %slice3A_64 : vector<4096x128xf32>
    %add3A_66 = arith.constant 3.840000e+02 : f32
    %add3A_67 = vector.broadcast %add3A_66 : f32 to vector<1x128xf32>
    %add3A_68 = arith.addf %get3A_11, %add3A_67 : vector<1x128xf32>
    %lt3A_69 = arith.cmpf olt, %add3A_65, %min3A_54 : vector<4096x128xf32>
    %min3A_70 = arith.minimumf %min3A_54, %add3A_65 : vector<4096x128xf32>
    %broadcast_in_dim3A_71 = vector.shape_cast %add3A_68 : vector<1x128xf32> to vector<1x128xf32>
    %broadcast_in_dim3A_72 = vector.broadcast %broadcast_in_dim3A_71 : vector<1x128xf32> to vector<4096x128xf32>
    %select_n3A_73 = arith.select %lt3A_69, %broadcast_in_dim3A_72, %select_n3A_57 : vector<4096x128xi1>, vector<4096x128xf32>
    %get3A_74 = arith.constant 0 : index
    %get3A_75 = arith.constant 512 : index
    %get3A_76 = vector.load %arg4[%get3A_74, %get3A_75] : memref<1x8192xf32, #tpu.memory_space<vmem>>, vector<1x128xf32>
    %add3A_77 = vector.broadcast %broadcast_in_dim3A : vector<4096x1xf32> to vector<4096x128xf32>
    %add3A_78 = vector.broadcast %get3A_76 : vector<1x128xf32> to vector<4096x128xf32>
    %add3A_79 = arith.addf %add3A_77, %add3A_78 : vector<4096x128xf32>
    %slice3A_80 = vector.extract_strided_slice %dot_general3A_15 {offsets = [0, 512], sizes = [4096, 128], strides = [1, 1]} : vector<4096x1024xf32> to vector<4096x128xf32>
    %add3A_81 = arith.addf %add3A_79, %slice3A_80 : vector<4096x128xf32>
    %add3A_82 = arith.constant 5.120000e+02 : f32
    %add3A_83 = vector.broadcast %add3A_82 : f32 to vector<1x128xf32>
    %add3A_84 = arith.addf %get3A_11, %add3A_83 : vector<1x128xf32>
    %lt3A_85 = arith.cmpf olt, %add3A_81, %min3A_70 : vector<4096x128xf32>
    %min3A_86 = arith.minimumf %min3A_70, %add3A_81 : vector<4096x128xf32>
    %broadcast_in_dim3A_87 = vector.shape_cast %add3A_84 : vector<1x128xf32> to vector<1x128xf32>
    %broadcast_in_dim3A_88 = vector.broadcast %broadcast_in_dim3A_87 : vector<1x128xf32> to vector<4096x128xf32>
    %select_n3A_89 = arith.select %lt3A_85, %broadcast_in_dim3A_88, %select_n3A_73 : vector<4096x128xi1>, vector<4096x128xf32>
    %get3A_90 = arith.constant 0 : index
    %get3A_91 = arith.constant 640 : index
    %get3A_92 = vector.load %arg4[%get3A_90, %get3A_91] : memref<1x8192xf32, #tpu.memory_space<vmem>>, vector<1x128xf32>
    %add3A_93 = vector.broadcast %broadcast_in_dim3A : vector<4096x1xf32> to vector<4096x128xf32>
    %add3A_94 = vector.broadcast %get3A_92 : vector<1x128xf32> to vector<4096x128xf32>
    %add3A_95 = arith.addf %add3A_93, %add3A_94 : vector<4096x128xf32>
    %slice3A_96 = vector.extract_strided_slice %dot_general3A_15 {offsets = [0, 640], sizes = [4096, 128], strides = [1, 1]} : vector<4096x1024xf32> to vector<4096x128xf32>
    %add3A_97 = arith.addf %add3A_95, %slice3A_96 : vector<4096x128xf32>
    %add3A_98 = arith.constant 6.400000e+02 : f32
    %add3A_99 = vector.broadcast %add3A_98 : f32 to vector<1x128xf32>
    %add3A_100 = arith.addf %get3A_11, %add3A_99 : vector<1x128xf32>
    %lt3A_101 = arith.cmpf olt, %add3A_97, %min3A_86 : vector<4096x128xf32>
    %min3A_102 = arith.minimumf %min3A_86, %add3A_97 : vector<4096x128xf32>
    %broadcast_in_dim3A_103 = vector.shape_cast %add3A_100 : vector<1x128xf32> to vector<1x128xf32>
    %broadcast_in_dim3A_104 = vector.broadcast %broadcast_in_dim3A_103 : vector<1x128xf32> to vector<4096x128xf32>
    %select_n3A_105 = arith.select %lt3A_101, %broadcast_in_dim3A_104, %select_n3A_89 : vector<4096x128xi1>, vector<4096x128xf32>
    %get3A_106 = arith.constant 0 : index
    %get3A_107 = arith.constant 768 : index
    %get3A_108 = vector.load %arg4[%get3A_106, %get3A_107] : memref<1x8192xf32, #tpu.memory_space<vmem>>, vector<1x128xf32>
    %add3A_109 = vector.broadcast %broadcast_in_dim3A : vector<4096x1xf32> to vector<4096x128xf32>
    %add3A_110 = vector.broadcast %get3A_108 : vector<1x128xf32> to vector<4096x128xf32>
    %add3A_111 = arith.addf %add3A_109, %add3A_110 : vector<4096x128xf32>
    %slice3A_112 = vector.extract_strided_slice %dot_general3A_15 {offsets = [0, 768], sizes = [4096, 128], strides = [1, 1]} : vector<4096x1024xf32> to vector<4096x128xf32>
    %add3A_113 = arith.addf %add3A_111, %slice3A_112 : vector<4096x128xf32>
    %add3A_114 = arith.constant 7.680000e+02 : f32
    %add3A_115 = vector.broadcast %add3A_114 : f32 to vector<1x128xf32>
    %add3A_116 = arith.addf %get3A_11, %add3A_115 : vector<1x128xf32>
    %lt3A_117 = arith.cmpf olt, %add3A_113, %min3A_102 : vector<4096x128xf32>
    %min3A_118 = arith.minimumf %min3A_102, %add3A_113 : vector<4096x128xf32>
    %broadcast_in_dim3A_119 = vector.shape_cast %add3A_116 : vector<1x128xf32> to vector<1x128xf32>
    %broadcast_in_dim3A_120 = vector.broadcast %broadcast_in_dim3A_119 : vector<1x128xf32> to vector<4096x128xf32>
    %select_n3A_121 = arith.select %lt3A_117, %broadcast_in_dim3A_120, %select_n3A_105 : vector<4096x128xi1>, vector<4096x128xf32>
    %get3A_122 = arith.constant 0 : index
    %get3A_123 = arith.constant 896 : index
    %get3A_124 = vector.load %arg4[%get3A_122, %get3A_123] : memref<1x8192xf32, #tpu.memory_space<vmem>>, vector<1x128xf32>
    %add3A_125 = vector.broadcast %broadcast_in_dim3A : vector<4096x1xf32> to vector<4096x128xf32>
    %add3A_126 = vector.broadcast %get3A_124 : vector<1x128xf32> to vector<4096x128xf32>
    %add3A_127 = arith.addf %add3A_125, %add3A_126 : vector<4096x128xf32>
    %slice3A_128 = vector.extract_strided_slice %dot_general3A_15 {offsets = [0, 896], sizes = [4096, 128], strides = [1, 1]} : vector<4096x1024xf32> to vector<4096x128xf32>
    %add3A_129 = arith.addf %add3A_127, %slice3A_128 : vector<4096x128xf32>
    %add3A_130 = arith.constant 8.960000e+02 : f32
    %add3A_131 = vector.broadcast %add3A_130 : f32 to vector<1x128xf32>
    %add3A_132 = arith.addf %get3A_11, %add3A_131 : vector<1x128xf32>
    %lt3A_133 = arith.cmpf olt, %add3A_129, %min3A_118 : vector<4096x128xf32>
    %min3A_134 = arith.minimumf %min3A_118, %add3A_129 : vector<4096x128xf32>
    %broadcast_in_dim3A_135 = vector.shape_cast %add3A_132 : vector<1x128xf32> to vector<1x128xf32>
    %broadcast_in_dim3A_136 = vector.broadcast %broadcast_in_dim3A_135 : vector<1x128xf32> to vector<4096x128xf32>
    %select_n3A_137 = arith.select %lt3A_133, %broadcast_in_dim3A_136, %select_n3A_121 : vector<4096x128xi1>, vector<4096x128xf32>
    %get3A_138 = arith.constant 1024 : index
    %get3A_139 = arith.constant 0 : index
    %get3A_140 = vector.load %arg6[%get3A_138, %get3A_139] : memref<8192x32xbf16, #tpu.memory_space<vmem>>, vector<1024x32xbf16>
    %dot_general3A_141 = arith.constant dense<0.000000e+00> : vector<4096x1024xf32>
    %dot_general3A_142 = tpu.matmul %convert_element_type3A_6, %get3A_140, %dot_general3A_141 {dimension_numbers = #tpu.dot_dimension_numbers<[1], [1], [0], [0], [0, 0, 1, 0], [], []>, transpose_lhs_hint = false} : vector<4096x32xbf16>, vector<1024x32xbf16>, vector<4096x1024xf32> -> vector<4096x1024xf32>
    %get3A_143 = arith.constant 0 : index
    %get3A_144 = arith.constant 1024 : index
    %get3A_145 = vector.load %arg4[%get3A_143, %get3A_144] : memref<1x8192xf32, #tpu.memory_space<vmem>>, vector<1x128xf32>
    %add3A_146 = vector.broadcast %broadcast_in_dim3A : vector<4096x1xf32> to vector<4096x128xf32>
    %add3A_147 = vector.broadcast %get3A_145 : vector<1x128xf32> to vector<4096x128xf32>
    %add3A_148 = arith.addf %add3A_146, %add3A_147 : vector<4096x128xf32>
    %slice3A_149 = vector.extract_strided_slice %dot_general3A_142 {offsets = [0, 0], sizes = [4096, 128], strides = [1, 1]} : vector<4096x1024xf32> to vector<4096x128xf32>
    %add3A_150 = arith.addf %add3A_148, %slice3A_149 : vector<4096x128xf32>
    %add3A_151 = arith.constant 1.024000e+03 : f32
    %add3A_152 = vector.broadcast %add3A_151 : f32 to vector<1x128xf32>
    %add3A_153 = arith.addf %get3A_11, %add3A_152 : vector<1x128xf32>
    %lt3A_154 = arith.cmpf olt, %add3A_150, %min3A_134 : vector<4096x128xf32>
    %min3A_155 = arith.minimumf %min3A_134, %add3A_150 : vector<4096x128xf32>
    %broadcast_in_dim3A_156 = vector.shape_cast %add3A_153 : vector<1x128xf32> to vector<1x128xf32>
    %broadcast_in_dim3A_157 = vector.broadcast %broadcast_in_dim3A_156 : vector<1x128xf32> to vector<4096x128xf32>
    %select_n3A_158 = arith.select %lt3A_154, %broadcast_in_dim3A_157, %select_n3A_137 : vector<4096x128xi1>, vector<4096x128xf32>
    %get3A_159 = arith.constant 0 : index
    %get3A_160 = arith.constant 1152 : index
    %get3A_161 = vector.load %arg4[%get3A_159, %get3A_160] : memref<1x8192xf32, #tpu.memory_space<vmem>>, vector<1x128xf32>
    %add3A_162 = vector.broadcast %broadcast_in_dim3A : vector<4096x1xf32> to vector<4096x128xf32>
    %add3A_163 = vector.broadcast %get3A_161 : vector<1x128xf32> to vector<4096x128xf32>
    %add3A_164 = arith.addf %add3A_162, %add3A_163 : vector<4096x128xf32>
    %slice3A_165 = vector.extract_strided_slice %dot_general3A_142 {offsets = [0, 128], sizes = [4096, 128], strides = [1, 1]} : vector<4096x1024xf32> to vector<4096x128xf32>
    %add3A_166 = arith.addf %add3A_164, %slice3A_165 : vector<4096x128xf32>
    %add3A_167 = arith.constant 1.152000e+03 : f32
    %add3A_168 = vector.broadcast %add3A_167 : f32 to vector<1x128xf32>
    %add3A_169 = arith.addf %get3A_11, %add3A_168 : vector<1x128xf32>
    %lt3A_170 = arith.cmpf olt, %add3A_166, %min3A_155 : vector<4096x128xf32>
    %min3A_171 = arith.minimumf %min3A_155, %add3A_166 : vector<4096x128xf32>
    %broadcast_in_dim3A_172 = vector.shape_cast %add3A_169 : vector<1x128xf32> to vector<1x128xf32>
    %broadcast_in_dim3A_173 = vector.broadcast %broadcast_in_dim3A_172 : vector<1x128xf32> to vector<4096x128xf32>
    %select_n3A_174 = arith.select %lt3A_170, %broadcast_in_dim3A_173, %select_n3A_158 : vector<4096x128xi1>, vector<4096x128xf32>
    %get3A_175 = arith.constant 0 : index
    %get3A_176 = arith.constant 1280 : index
    %get3A_177 = vector.load %arg4[%get3A_175, %get3A_176] : memref<1x8192xf32, #tpu.memory_space<vmem>>, vector<1x128xf32>
    %add3A_178 = vector.broadcast %broadcast_in_dim3A : vector<4096x1xf32> to vector<4096x128xf32>
    %add3A_179 = vector.broadcast %get3A_177 : vector<1x128xf32> to vector<4096x128xf32>
    %add3A_180 = arith.addf %add3A_178, %add3A_179 : vector<4096x128xf32>
    %slice3A_181 = vector.extract_strided_slice %dot_general3A_142 {offsets = [0, 256], sizes = [4096, 128], strides = [1, 1]} : vector<4096x1024xf32> to vector<4096x128xf32>
    %add3A_182 = arith.addf %add3A_180, %slice3A_181 : vector<4096x128xf32>
    %add3A_183 = arith.constant 1.280000e+03 : f32
    %add3A_184 = vector.broadcast %add3A_183 : f32 to vector<1x128xf32>
    %add3A_185 = arith.addf %get3A_11, %add3A_184 : vector<1x128xf32>
    %lt3A_186 = arith.cmpf olt, %add3A_182, %min3A_171 : vector<4096x128xf32>
    %min3A_187 = arith.minimumf %min3A_171, %add3A_182 : vector<4096x128xf32>
    %broadcast_in_dim3A_188 = vector.shape_cast %add3A_185 : vector<1x128xf32> to vector<1x128xf32>
    %broadcast_in_dim3A_189 = vector.broadcast %broadcast_in_dim3A_188 : vector<1x128xf32> to vector<4096x128xf32>
    %select_n3A_190 = arith.select %lt3A_186, %broadcast_in_dim3A_189, %select_n3A_174 : vector<4096x128xi1>, vector<4096x128xf32>
    %get3A_191 = arith.constant 0 : index
    %get3A_192 = arith.constant 1408 : index
    %get3A_193 = vector.load %arg4[%get3A_191, %get3A_192] : memref<1x8192xf32, #tpu.memory_space<vmem>>, vector<1x128xf32>
    %add3A_194 = vector.broadcast %broadcast_in_dim3A : vector<4096x1xf32> to vector<4096x128xf32>
    %add3A_195 = vector.broadcast %get3A_193 : vector<1x128xf32> to vector<4096x128xf32>
    %add3A_196 = arith.addf %add3A_194, %add3A_195 : vector<4096x128xf32>
    %slice3A_197 = vector.extract_strided_slice %dot_general3A_142 {offsets = [0, 384], sizes = [4096, 128], strides = [1, 1]} : vector<4096x1024xf32> to vector<4096x128xf32>
    %add3A_198 = arith.addf %add3A_196, %slice3A_197 : vector<4096x128xf32>
    %add3A_199 = arith.constant 1.408000e+03 : f32
    %add3A_200 = vector.broadcast %add3A_199 : f32 to vector<1x128xf32>
    %add3A_201 = arith.addf %get3A_11, %add3A_200 : vector<1x128xf32>
    %lt3A_202 = arith.cmpf olt, %add3A_198, %min3A_187 : vector<4096x128xf32>
    %min3A_203 = arith.minimumf %min3A_187, %add3A_198 : vector<4096x128xf32>
    %broadcast_in_dim3A_204 = vector.shape_cast %add3A_201 : vector<1x128xf32> to vector<1x128xf32>
    %broadcast_in_dim3A_205 = vector.broadcast %broadcast_in_dim3A_204 : vector<1x128xf32> to vector<4096x128xf32>
    %select_n3A_206 = arith.select %lt3A_202, %broadcast_in_dim3A_205, %select_n3A_190 : vector<4096x128xi1>, vector<4096x128xf32>
    %get3A_207 = arith.constant 0 : index
    %get3A_208 = arith.constant 1536 : index
    %get3A_209 = vector.load %arg4[%get3A_207, %get3A_208] : memref<1x8192xf32, #tpu.memory_space<vmem>>, vector<1x128xf32>
    %add3A_210 = vector.broadcast %broadcast_in_dim3A : vector<4096x1xf32> to vector<4096x128xf32>
    %add3A_211 = vector.broadcast %get3A_209 : vector<1x128xf32> to vector<4096x128xf32>
    %add3A_212 = arith.addf %add3A_210, %add3A_211 : vector<4096x128xf32>
    %slice3A_213 = vector.extract_strided_slice %dot_general3A_142 {offsets = [0, 512], sizes = [4096, 128], strides = [1, 1]} : vector<4096x1024xf32> to vector<4096x128xf32>
    %add3A_214 = arith.addf %add3A_212, %slice3A_213 : vector<4096x128xf32>
    %add3A_215 = arith.constant 1.536000e+03 : f32
    %add3A_216 = vector.broadcast %add3A_215 : f32 to vector<1x128xf32>
    %add3A_217 = arith.addf %get3A_11, %add3A_216 : vector<1x128xf32>
    %lt3A_218 = arith.cmpf olt, %add3A_214, %min3A_203 : vector<4096x128xf32>
    %min3A_219 = arith.minimumf %min3A_203, %add3A_214 : vector<4096x128xf32>
    %broadcast_in_dim3A_220 = vector.shape_cast %add3A_217 : vector<1x128xf32> to vector<1x128xf32>
    %broadcast_in_dim3A_221 = vector.broadcast %broadcast_in_dim3A_220 : vector<1x128xf32> to vector<4096x128xf32>
    %select_n3A_222 = arith.select %lt3A_218, %broadcast_in_dim3A_221, %select_n3A_206 : vector<4096x128xi1>, vector<4096x128xf32>
    %get3A_223 = arith.constant 0 : index
    %get3A_224 = arith.constant 1664 : index
    %get3A_225 = vector.load %arg4[%get3A_223, %get3A_224] : memref<1x8192xf32, #tpu.memory_space<vmem>>, vector<1x128xf32>
    %add3A_226 = vector.broadcast %broadcast_in_dim3A : vector<4096x1xf32> to vector<4096x128xf32>
    %add3A_227 = vector.broadcast %get3A_225 : vector<1x128xf32> to vector<4096x128xf32>
    %add3A_228 = arith.addf %add3A_226, %add3A_227 : vector<4096x128xf32>
    %slice3A_229 = vector.extract_strided_slice %dot_general3A_142 {offsets = [0, 640], sizes = [4096, 128], strides = [1, 1]} : vector<4096x1024xf32> to vector<4096x128xf32>
    %add3A_230 = arith.addf %add3A_228, %slice3A_229 : vector<4096x128xf32>
    %add3A_231 = arith.constant 1.664000e+03 : f32
    %add3A_232 = vector.broadcast %add3A_231 : f32 to vector<1x128xf32>
    %add3A_233 = arith.addf %get3A_11, %add3A_232 : vector<1x128xf32>
    %lt3A_234 = arith.cmpf olt, %add3A_230, %min3A_219 : vector<4096x128xf32>
    %min3A_235 = arith.minimumf %min3A_219, %add3A_230 : vector<4096x128xf32>
    %broadcast_in_dim3A_236 = vector.shape_cast %add3A_233 : vector<1x128xf32> to vector<1x128xf32>
    %broadcast_in_dim3A_237 = vector.broadcast %broadcast_in_dim3A_236 : vector<1x128xf32> to vector<4096x128xf32>
    %select_n3A_238 = arith.select %lt3A_234, %broadcast_in_dim3A_237, %select_n3A_222 : vector<4096x128xi1>, vector<4096x128xf32>
    %get3A_239 = arith.constant 0 : index
    %get3A_240 = arith.constant 1792 : index
    %get3A_241 = vector.load %arg4[%get3A_239, %get3A_240] : memref<1x8192xf32, #tpu.memory_space<vmem>>, vector<1x128xf32>
    %add3A_242 = vector.broadcast %broadcast_in_dim3A : vector<4096x1xf32> to vector<4096x128xf32>
    %add3A_243 = vector.broadcast %get3A_241 : vector<1x128xf32> to vector<4096x128xf32>
    %add3A_244 = arith.addf %add3A_242, %add3A_243 : vector<4096x128xf32>
    %slice3A_245 = vector.extract_strided_slice %dot_general3A_142 {offsets = [0, 768], sizes = [4096, 128], strides = [1, 1]} : vector<4096x1024xf32> to vector<4096x128xf32>
    %add3A_246 = arith.addf %add3A_244, %slice3A_245 : vector<4096x128xf32>
    %add3A_247 = arith.constant 1.792000e+03 : f32
    %add3A_248 = vector.broadcast %add3A_247 : f32 to vector<1x128xf32>
    %add3A_249 = arith.addf %get3A_11, %add3A_248 : vector<1x128xf32>
    %lt3A_250 = arith.cmpf olt, %add3A_246, %min3A_235 : vector<4096x128xf32>
    %min3A_251 = arith.minimumf %min3A_235, %add3A_246 : vector<4096x128xf32>
    %broadcast_in_dim3A_252 = vector.shape_cast %add3A_249 : vector<1x128xf32> to vector<1x128xf32>
    %broadcast_in_dim3A_253 = vector.broadcast %broadcast_in_dim3A_252 : vector<1x128xf32> to vector<4096x128xf32>
    %select_n3A_254 = arith.select %lt3A_250, %broadcast_in_dim3A_253, %select_n3A_238 : vector<4096x128xi1>, vector<4096x128xf32>
    %get3A_255 = arith.constant 0 : index
    %get3A_256 = arith.constant 1920 : index
    %get3A_257 = vector.load %arg4[%get3A_255, %get3A_256] : memref<1x8192xf32, #tpu.memory_space<vmem>>, vector<1x128xf32>
    %add3A_258 = vector.broadcast %broadcast_in_dim3A : vector<4096x1xf32> to vector<4096x128xf32>
    %add3A_259 = vector.broadcast %get3A_257 : vector<1x128xf32> to vector<4096x128xf32>
    %add3A_260 = arith.addf %add3A_258, %add3A_259 : vector<4096x128xf32>
    %slice3A_261 = vector.extract_strided_slice %dot_general3A_142 {offsets = [0, 896], sizes = [4096, 128], strides = [1, 1]} : vector<4096x1024xf32> to vector<4096x128xf32>
    %add3A_262 = arith.addf %add3A_260, %slice3A_261 : vector<4096x128xf32>
    %add3A_263 = arith.constant 1.920000e+03 : f32
    %add3A_264 = vector.broadcast %add3A_263 : f32 to vector<1x128xf32>
    %add3A_265 = arith.addf %get3A_11, %add3A_264 : vector<1x128xf32>
    %lt3A_266 = arith.cmpf olt, %add3A_262, %min3A_251 : vector<4096x128xf32>
    %min3A_267 = arith.minimumf %min3A_251, %add3A_262 : vector<4096x128xf32>
    %broadcast_in_dim3A_268 = vector.shape_cast %add3A_265 : vector<1x128xf32> to vector<1x128xf32>
    %broadcast_in_dim3A_269 = vector.broadcast %broadcast_in_dim3A_268 : vector<1x128xf32> to vector<4096x128xf32>
    %select_n3A_270 = arith.select %lt3A_266, %broadcast_in_dim3A_269, %select_n3A_254 : vector<4096x128xi1>, vector<4096x128xf32>
    %get3A_271 = arith.constant 2048 : index
    %get3A_272 = arith.constant 0 : index
    %get3A_273 = vector.load %arg6[%get3A_271, %get3A_272] : memref<8192x32xbf16, #tpu.memory_space<vmem>>, vector<1024x32xbf16>
    %dot_general3A_274 = arith.constant dense<0.000000e+00> : vector<4096x1024xf32>
    %dot_general3A_275 = tpu.matmul %convert_element_type3A_6, %get3A_273, %dot_general3A_274 {dimension_numbers = #tpu.dot_dimension_numbers<[1], [1], [0], [0], [0, 0, 1, 0], [], []>, transpose_lhs_hint = false} : vector<4096x32xbf16>, vector<1024x32xbf16>, vector<4096x1024xf32> -> vector<4096x1024xf32>
    %get3A_276 = arith.constant 0 : index
    %get3A_277 = arith.constant 2048 : index
    %get3A_278 = vector.load %arg4[%get3A_276, %get3A_277] : memref<1x8192xf32, #tpu.memory_space<vmem>>, vector<1x128xf32>
    %add3A_279 = vector.broadcast %broadcast_in_dim3A : vector<4096x1xf32> to vector<4096x128xf32>
    %add3A_280 = vector.broadcast %get3A_278 : vector<1x128xf32> to vector<4096x128xf32>
    %add3A_281 = arith.addf %add3A_279, %add3A_280 : vector<4096x128xf32>
    %slice3A_282 = vector.extract_strided_slice %dot_general3A_275 {offsets = [0, 0], sizes = [4096, 128], strides = [1, 1]} : vector<4096x1024xf32> to vector<4096x128xf32>
    %add3A_283 = arith.addf %add3A_281, %slice3A_282 : vector<4096x128xf32>
    %add3A_284 = arith.constant 2.048000e+03 : f32
    %add3A_285 = vector.broadcast %add3A_284 : f32 to vector<1x128xf32>
    %add3A_286 = arith.addf %get3A_11, %add3A_285 : vector<1x128xf32>
    %lt3A_287 = arith.cmpf olt, %add3A_283, %min3A_267 : vector<4096x128xf32>
    %min3A_288 = arith.minimumf %min3A_267, %add3A_283 : vector<4096x128xf32>
    %broadcast_in_dim3A_289 = vector.shape_cast %add3A_286 : vector<1x128xf32> to vector<1x128xf32>
    %broadcast_in_dim3A_290 = vector.broadcast %broadcast_in_dim3A_289 : vector<1x128xf32> to vector<4096x128xf32>
    %select_n3A_291 = arith.select %lt3A_287, %broadcast_in_dim3A_290, %select_n3A_270 : vector<4096x128xi1>, vector<4096x128xf32>
    %get3A_292 = arith.constant 0 : index
    %get3A_293 = arith.constant 2176 : index
    %get3A_294 = vector.load %arg4[%get3A_292, %get3A_293] : memref<1x8192xf32, #tpu.memory_space<vmem>>, vector<1x128xf32>
    %add3A_295 = vector.broadcast %broadcast_in_dim3A : vector<4096x1xf32> to vector<4096x128xf32>
    %add3A_296 = vector.broadcast %get3A_294 : vector<1x128xf32> to vector<4096x128xf32>
    %add3A_297 = arith.addf %add3A_295, %add3A_296 : vector<4096x128xf32>
    %slice3A_298 = vector.extract_strided_slice %dot_general3A_275 {offsets = [0, 128], sizes = [4096, 128], strides = [1, 1]} : vector<4096x1024xf32> to vector<4096x128xf32>
    %add3A_299 = arith.addf %add3A_297, %slice3A_298 : vector<4096x128xf32>
    %add3A_300 = arith.constant 2.176000e+03 : f32
    %add3A_301 = vector.broadcast %add3A_300 : f32 to vector<1x128xf32>
    %add3A_302 = arith.addf %get3A_11, %add3A_301 : vector<1x128xf32>
    %lt3A_303 = arith.cmpf olt, %add3A_299, %min3A_288 : vector<4096x128xf32>
    %min3A_304 = arith.minimumf %min3A_288, %add3A_299 : vector<4096x128xf32>
    %broadcast_in_dim3A_305 = vector.shape_cast %add3A_302 : vector<1x128xf32> to vector<1x128xf32>
    %broadcast_in_dim3A_306 = vector.broadcast %broadcast_in_dim3A_305 : vector<1x128xf32> to vector<4096x128xf32>
    %select_n3A_307 = arith.select %lt3A_303, %broadcast_in_dim3A_306, %select_n3A_291 : vector<4096x128xi1>, vector<4096x128xf32>
    %get3A_308 = arith.constant 0 : index
    %get3A_309 = arith.constant 2304 : index
    %get3A_310 = vector.load %arg4[%get3A_308, %get3A_309] : memref<1x8192xf32, #tpu.memory_space<vmem>>, vector<1x128xf32>
    %add3A_311 = vector.broadcast %broadcast_in_dim3A : vector<4096x1xf32> to vector<4096x128xf32>
    %add3A_312 = vector.broadcast %get3A_310 : vector<1x128xf32> to vector<4096x128xf32>
    %add3A_313 = arith.addf %add3A_311, %add3A_312 : vector<4096x128xf32>
    %slice3A_314 = vector.extract_strided_slice %dot_general3A_275 {offsets = [0, 256], sizes = [4096, 128], strides = [1, 1]} : vector<4096x1024xf32> to vector<4096x128xf32>
    %add3A_315 = arith.addf %add3A_313, %slice3A_314 : vector<4096x128xf32>
    %add3A_316 = arith.constant 2.304000e+03 : f32
    %add3A_317 = vector.broadcast %add3A_316 : f32 to vector<1x128xf32>
    %add3A_318 = arith.addf %get3A_11, %add3A_317 : vector<1x128xf32>
    %lt3A_319 = arith.cmpf olt, %add3A_315, %min3A_304 : vector<4096x128xf32>
    %min3A_320 = arith.minimumf %min3A_304, %add3A_315 : vector<4096x128xf32>
    %broadcast_in_dim3A_321 = vector.shape_cast %add3A_318 : vector<1x128xf32> to vector<1x128xf32>
    %broadcast_in_dim3A_322 = vector.broadcast %broadcast_in_dim3A_321 : vector<1x128xf32> to vector<4096x128xf32>
    %select_n3A_323 = arith.select %lt3A_319, %broadcast_in_dim3A_322, %select_n3A_307 : vector<4096x128xi1>, vector<4096x128xf32>
    %get3A_324 = arith.constant 0 : index
    %get3A_325 = arith.constant 2432 : index
    %get3A_326 = vector.load %arg4[%get3A_324, %get3A_325] : memref<1x8192xf32, #tpu.memory_space<vmem>>, vector<1x128xf32>
    %add3A_327 = vector.broadcast %broadcast_in_dim3A : vector<4096x1xf32> to vector<4096x128xf32>
    %add3A_328 = vector.broadcast %get3A_326 : vector<1x128xf32> to vector<4096x128xf32>
    %add3A_329 = arith.addf %add3A_327, %add3A_328 : vector<4096x128xf32>
    %slice3A_330 = vector.extract_strided_slice %dot_general3A_275 {offsets = [0, 384], sizes = [4096, 128], strides = [1, 1]} : vector<4096x1024xf32> to vector<4096x128xf32>
    %add3A_331 = arith.addf %add3A_329, %slice3A_330 : vector<4096x128xf32>
    %add3A_332 = arith.constant 2.432000e+03 : f32
    %add3A_333 = vector.broadcast %add3A_332 : f32 to vector<1x128xf32>
    %add3A_334 = arith.addf %get3A_11, %add3A_333 : vector<1x128xf32>
    %lt3A_335 = arith.cmpf olt, %add3A_331, %min3A_320 : vector<4096x128xf32>
    %min3A_336 = arith.minimumf %min3A_320, %add3A_331 : vector<4096x128xf32>
    %broadcast_in_dim3A_337 = vector.shape_cast %add3A_334 : vector<1x128xf32> to vector<1x128xf32>
    %broadcast_in_dim3A_338 = vector.broadcast %broadcast_in_dim3A_337 : vector<1x128xf32> to vector<4096x128xf32>
    %select_n3A_339 = arith.select %lt3A_335, %broadcast_in_dim3A_338, %select_n3A_323 : vector<4096x128xi1>, vector<4096x128xf32>
    %get3A_340 = arith.constant 0 : index
    %get3A_341 = arith.constant 2560 : index
    %get3A_342 = vector.load %arg4[%get3A_340, %get3A_341] : memref<1x8192xf32, #tpu.memory_space<vmem>>, vector<1x128xf32>
    %add3A_343 = vector.broadcast %broadcast_in_dim3A : vector<4096x1xf32> to vector<4096x128xf32>
    %add3A_344 = vector.broadcast %get3A_342 : vector<1x128xf32> to vector<4096x128xf32>
    %add3A_345 = arith.addf %add3A_343, %add3A_344 : vector<4096x128xf32>
    %slice3A_346 = vector.extract_strided_slice %dot_general3A_275 {offsets = [0, 512], sizes = [4096, 128], strides = [1, 1]} : vector<4096x1024xf32> to vector<4096x128xf32>
    %add3A_347 = arith.addf %add3A_345, %slice3A_346 : vector<4096x128xf32>
    %add3A_348 = arith.constant 2.560000e+03 : f32
    %add3A_349 = vector.broadcast %add3A_348 : f32 to vector<1x128xf32>
    %add3A_350 = arith.addf %get3A_11, %add3A_349 : vector<1x128xf32>
    %lt3A_351 = arith.cmpf olt, %add3A_347, %min3A_336 : vector<4096x128xf32>
    %min3A_352 = arith.minimumf %min3A_336, %add3A_347 : vector<4096x128xf32>
    %broadcast_in_dim3A_353 = vector.shape_cast %add3A_350 : vector<1x128xf32> to vector<1x128xf32>
    %broadcast_in_dim3A_354 = vector.broadcast %broadcast_in_dim3A_353 : vector<1x128xf32> to vector<4096x128xf32>
    %select_n3A_355 = arith.select %lt3A_351, %broadcast_in_dim3A_354, %select_n3A_339 : vector<4096x128xi1>, vector<4096x128xf32>
    %get3A_356 = arith.constant 0 : index
    %get3A_357 = arith.constant 2688 : index
    %get3A_358 = vector.load %arg4[%get3A_356, %get3A_357] : memref<1x8192xf32, #tpu.memory_space<vmem>>, vector<1x128xf32>
    %add3A_359 = vector.broadcast %broadcast_in_dim3A : vector<4096x1xf32> to vector<4096x128xf32>
    %add3A_360 = vector.broadcast %get3A_358 : vector<1x128xf32> to vector<4096x128xf32>
    %add3A_361 = arith.addf %add3A_359, %add3A_360 : vector<4096x128xf32>
    %slice3A_362 = vector.extract_strided_slice %dot_general3A_275 {offsets = [0, 640], sizes = [4096, 128], strides = [1, 1]} : vector<4096x1024xf32> to vector<4096x128xf32>
    %add3A_363 = arith.addf %add3A_361, %slice3A_362 : vector<4096x128xf32>
    %add3A_364 = arith.constant 2.688000e+03 : f32
    %add3A_365 = vector.broadcast %add3A_364 : f32 to vector<1x128xf32>
    %add3A_366 = arith.addf %get3A_11, %add3A_365 : vector<1x128xf32>
    %lt3A_367 = arith.cmpf olt, %add3A_363, %min3A_352 : vector<4096x128xf32>
    %min3A_368 = arith.minimumf %min3A_352, %add3A_363 : vector<4096x128xf32>
    %broadcast_in_dim3A_369 = vector.shape_cast %add3A_366 : vector<1x128xf32> to vector<1x128xf32>
    %broadcast_in_dim3A_370 = vector.broadcast %broadcast_in_dim3A_369 : vector<1x128xf32> to vector<4096x128xf32>
    %select_n3A_371 = arith.select %lt3A_367, %broadcast_in_dim3A_370, %select_n3A_355 : vector<4096x128xi1>, vector<4096x128xf32>
    %get3A_372 = arith.constant 0 : index
    %get3A_373 = arith.constant 2816 : index
    %get3A_374 = vector.load %arg4[%get3A_372, %get3A_373] : memref<1x8192xf32, #tpu.memory_space<vmem>>, vector<1x128xf32>
    %add3A_375 = vector.broadcast %broadcast_in_dim3A : vector<4096x1xf32> to vector<4096x128xf32>
    %add3A_376 = vector.broadcast %get3A_374 : vector<1x128xf32> to vector<4096x128xf32>
    %add3A_377 = arith.addf %add3A_375, %add3A_376 : vector<4096x128xf32>
    %slice3A_378 = vector.extract_strided_slice %dot_general3A_275 {offsets = [0, 768], sizes = [4096, 128], strides = [1, 1]} : vector<4096x1024xf32> to vector<4096x128xf32>
    %add3A_379 = arith.addf %add3A_377, %slice3A_378 : vector<4096x128xf32>
    %add3A_380 = arith.constant 2.816000e+03 : f32
    %add3A_381 = vector.broadcast %add3A_380 : f32 to vector<1x128xf32>
    %add3A_382 = arith.addf %get3A_11, %add3A_381 : vector<1x128xf32>
    %lt3A_383 = arith.cmpf olt, %add3A_379, %min3A_368 : vector<4096x128xf32>
    %min3A_384 = arith.minimumf %min3A_368, %add3A_379 : vector<4096x128xf32>
    %broadcast_in_dim3A_385 = vector.shape_cast %add3A_382 : vector<1x128xf32> to vector<1x128xf32>
    %broadcast_in_dim3A_386 = vector.broadcast %broadcast_in_dim3A_385 : vector<1x128xf32> to vector<4096x128xf32>
    %select_n3A_387 = arith.select %lt3A_383, %broadcast_in_dim3A_386, %select_n3A_371 : vector<4096x128xi1>, vector<4096x128xf32>
    %get3A_388 = arith.constant 0 : index
    %get3A_389 = arith.constant 2944 : index
    %get3A_390 = vector.load %arg4[%get3A_388, %get3A_389] : memref<1x8192xf32, #tpu.memory_space<vmem>>, vector<1x128xf32>
    %add3A_391 = vector.broadcast %broadcast_in_dim3A : vector<4096x1xf32> to vector<4096x128xf32>
    %add3A_392 = vector.broadcast %get3A_390 : vector<1x128xf32> to vector<4096x128xf32>
    %add3A_393 = arith.addf %add3A_391, %add3A_392 : vector<4096x128xf32>
    %slice3A_394 = vector.extract_strided_slice %dot_general3A_275 {offsets = [0, 896], sizes = [4096, 128], strides = [1, 1]} : vector<4096x1024xf32> to vector<4096x128xf32>
    %add3A_395 = arith.addf %add3A_393, %slice3A_394 : vector<4096x128xf32>
    %add3A_396 = arith.constant 2.944000e+03 : f32
    %add3A_397 = vector.broadcast %add3A_396 : f32 to vector<1x128xf32>
    %add3A_398 = arith.addf %get3A_11, %add3A_397 : vector<1x128xf32>
    %lt3A_399 = arith.cmpf olt, %add3A_395, %min3A_384 : vector<4096x128xf32>
    %min3A_400 = arith.minimumf %min3A_384, %add3A_395 : vector<4096x128xf32>
    %broadcast_in_dim3A_401 = vector.shape_cast %add3A_398 : vector<1x128xf32> to vector<1x128xf32>
    %broadcast_in_dim3A_402 = vector.broadcast %broadcast_in_dim3A_401 : vector<1x128xf32> to vector<4096x128xf32>
    %select_n3A_403 = arith.select %lt3A_399, %broadcast_in_dim3A_402, %select_n3A_387 : vector<4096x128xi1>, vector<4096x128xf32>
    %get3A_404 = arith.constant 3072 : index
    %get3A_405 = arith.constant 0 : index
    %get3A_406 = vector.load %arg6[%get3A_404, %get3A_405] : memref<8192x32xbf16, #tpu.memory_space<vmem>>, vector<1024x32xbf16>
    %dot_general3A_407 = arith.constant dense<0.000000e+00> : vector<4096x1024xf32>
    %dot_general3A_408 = tpu.matmul %convert_element_type3A_6, %get3A_406, %dot_general3A_407 {dimension_numbers = #tpu.dot_dimension_numbers<[1], [1], [0], [0], [0, 0, 1, 0], [], []>, transpose_lhs_hint = false} : vector<4096x32xbf16>, vector<1024x32xbf16>, vector<4096x1024xf32> -> vector<4096x1024xf32>
    %get3A_409 = arith.constant 0 : index
    %get3A_410 = arith.constant 3072 : index
    %get3A_411 = vector.load %arg4[%get3A_409, %get3A_410] : memref<1x8192xf32, #tpu.memory_space<vmem>>, vector<1x128xf32>
    %add3A_412 = vector.broadcast %broadcast_in_dim3A : vector<4096x1xf32> to vector<4096x128xf32>
    %add3A_413 = vector.broadcast %get3A_411 : vector<1x128xf32> to vector<4096x128xf32>
    %add3A_414 = arith.addf %add3A_412, %add3A_413 : vector<4096x128xf32>
    %slice3A_415 = vector.extract_strided_slice %dot_general3A_408 {offsets = [0, 0], sizes = [4096, 128], strides = [1, 1]} : vector<4096x1024xf32> to vector<4096x128xf32>
    %add3A_416 = arith.addf %add3A_414, %slice3A_415 : vector<4096x128xf32>
    %add3A_417 = arith.constant 3.072000e+03 : f32
    %add3A_418 = vector.broadcast %add3A_417 : f32 to vector<1x128xf32>
    %add3A_419 = arith.addf %get3A_11, %add3A_418 : vector<1x128xf32>
    %lt3A_420 = arith.cmpf olt, %add3A_416, %min3A_400 : vector<4096x128xf32>
    %min3A_421 = arith.minimumf %min3A_400, %add3A_416 : vector<4096x128xf32>
    %broadcast_in_dim3A_422 = vector.shape_cast %add3A_419 : vector<1x128xf32> to vector<1x128xf32>
    %broadcast_in_dim3A_423 = vector.broadcast %broadcast_in_dim3A_422 : vector<1x128xf32> to vector<4096x128xf32>
    %select_n3A_424 = arith.select %lt3A_420, %broadcast_in_dim3A_423, %select_n3A_403 : vector<4096x128xi1>, vector<4096x128xf32>
    %get3A_425 = arith.constant 0 : index
    %get3A_426 = arith.constant 3200 : index
    %get3A_427 = vector.load %arg4[%get3A_425, %get3A_426] : memref<1x8192xf32, #tpu.memory_space<vmem>>, vector<1x128xf32>
    %add3A_428 = vector.broadcast %broadcast_in_dim3A : vector<4096x1xf32> to vector<4096x128xf32>
    %add3A_429 = vector.broadcast %get3A_427 : vector<1x128xf32> to vector<4096x128xf32>
    %add3A_430 = arith.addf %add3A_428, %add3A_429 : vector<4096x128xf32>
    %slice3A_431 = vector.extract_strided_slice %dot_general3A_408 {offsets = [0, 128], sizes = [4096, 128], strides = [1, 1]} : vector<4096x1024xf32> to vector<4096x128xf32>
    %add3A_432 = arith.addf %add3A_430, %slice3A_431 : vector<4096x128xf32>
    %add3A_433 = arith.constant 3.200000e+03 : f32
    %add3A_434 = vector.broadcast %add3A_433 : f32 to vector<1x128xf32>
    %add3A_435 = arith.addf %get3A_11, %add3A_434 : vector<1x128xf32>
    %lt3A_436 = arith.cmpf olt, %add3A_432, %min3A_421 : vector<4096x128xf32>
    %min3A_437 = arith.minimumf %min3A_421, %add3A_432 : vector<4096x128xf32>
    %broadcast_in_dim3A_438 = vector.shape_cast %add3A_435 : vector<1x128xf32> to vector<1x128xf32>
    %broadcast_in_dim3A_439 = vector.broadcast %broadcast_in_dim3A_438 : vector<1x128xf32> to vector<4096x128xf32>
    %select_n3A_440 = arith.select %lt3A_436, %broadcast_in_dim3A_439, %select_n3A_424 : vector<4096x128xi1>, vector<4096x128xf32>
    %get3A_441 = arith.constant 0 : index
    %get3A_442 = arith.constant 3328 : index
    %get3A_443 = vector.load %arg4[%get3A_441, %get3A_442] : memref<1x8192xf32, #tpu.memory_space<vmem>>, vector<1x128xf32>
    %add3A_444 = vector.broadcast %broadcast_in_dim3A : vector<4096x1xf32> to vector<4096x128xf32>
    %add3A_445 = vector.broadcast %get3A_443 : vector<1x128xf32> to vector<4096x128xf32>
    %add3A_446 = arith.addf %add3A_444, %add3A_445 : vector<4096x128xf32>
    %slice3A_447 = vector.extract_strided_slice %dot_general3A_408 {offsets = [0, 256], sizes = [4096, 128], strides = [1, 1]} : vector<4096x1024xf32> to vector<4096x128xf32>
    %add3A_448 = arith.addf %add3A_446, %slice3A_447 : vector<4096x128xf32>
    %add3A_449 = arith.constant 3.328000e+03 : f32
    %add3A_450 = vector.broadcast %add3A_449 : f32 to vector<1x128xf32>
    %add3A_451 = arith.addf %get3A_11, %add3A_450 : vector<1x128xf32>
    %lt3A_452 = arith.cmpf olt, %add3A_448, %min3A_437 : vector<4096x128xf32>
    %min3A_453 = arith.minimumf %min3A_437, %add3A_448 : vector<4096x128xf32>
    %broadcast_in_dim3A_454 = vector.shape_cast %add3A_451 : vector<1x128xf32> to vector<1x128xf32>
    %broadcast_in_dim3A_455 = vector.broadcast %broadcast_in_dim3A_454 : vector<1x128xf32> to vector<4096x128xf32>
    %select_n3A_456 = arith.select %lt3A_452, %broadcast_in_dim3A_455, %select_n3A_440 : vector<4096x128xi1>, vector<4096x128xf32>
    %get3A_457 = arith.constant 0 : index
    %get3A_458 = arith.constant 3456 : index
    %get3A_459 = vector.load %arg4[%get3A_457, %get3A_458] : memref<1x8192xf32, #tpu.memory_space<vmem>>, vector<1x128xf32>
    %add3A_460 = vector.broadcast %broadcast_in_dim3A : vector<4096x1xf32> to vector<4096x128xf32>
    %add3A_461 = vector.broadcast %get3A_459 : vector<1x128xf32> to vector<4096x128xf32>
    %add3A_462 = arith.addf %add3A_460, %add3A_461 : vector<4096x128xf32>
    %slice3A_463 = vector.extract_strided_slice %dot_general3A_408 {offsets = [0, 384], sizes = [4096, 128], strides = [1, 1]} : vector<4096x1024xf32> to vector<4096x128xf32>
    %add3A_464 = arith.addf %add3A_462, %slice3A_463 : vector<4096x128xf32>
    %add3A_465 = arith.constant 3.456000e+03 : f32
    %add3A_466 = vector.broadcast %add3A_465 : f32 to vector<1x128xf32>
    %add3A_467 = arith.addf %get3A_11, %add3A_466 : vector<1x128xf32>
    %lt3A_468 = arith.cmpf olt, %add3A_464, %min3A_453 : vector<4096x128xf32>
    %min3A_469 = arith.minimumf %min3A_453, %add3A_464 : vector<4096x128xf32>
    %broadcast_in_dim3A_470 = vector.shape_cast %add3A_467 : vector<1x128xf32> to vector<1x128xf32>
    %broadcast_in_dim3A_471 = vector.broadcast %broadcast_in_dim3A_470 : vector<1x128xf32> to vector<4096x128xf32>
    %select_n3A_472 = arith.select %lt3A_468, %broadcast_in_dim3A_471, %select_n3A_456 : vector<4096x128xi1>, vector<4096x128xf32>
    %get3A_473 = arith.constant 0 : index
    %get3A_474 = arith.constant 3584 : index
    %get3A_475 = vector.load %arg4[%get3A_473, %get3A_474] : memref<1x8192xf32, #tpu.memory_space<vmem>>, vector<1x128xf32>
    %add3A_476 = vector.broadcast %broadcast_in_dim3A : vector<4096x1xf32> to vector<4096x128xf32>
    %add3A_477 = vector.broadcast %get3A_475 : vector<1x128xf32> to vector<4096x128xf32>
    %add3A_478 = arith.addf %add3A_476, %add3A_477 : vector<4096x128xf32>
    %slice3A_479 = vector.extract_strided_slice %dot_general3A_408 {offsets = [0, 512], sizes = [4096, 128], strides = [1, 1]} : vector<4096x1024xf32> to vector<4096x128xf32>
    %add3A_480 = arith.addf %add3A_478, %slice3A_479 : vector<4096x128xf32>
    %add3A_481 = arith.constant 3.584000e+03 : f32
    %add3A_482 = vector.broadcast %add3A_481 : f32 to vector<1x128xf32>
    %add3A_483 = arith.addf %get3A_11, %add3A_482 : vector<1x128xf32>
    %lt3A_484 = arith.cmpf olt, %add3A_480, %min3A_469 : vector<4096x128xf32>
    %min3A_485 = arith.minimumf %min3A_469, %add3A_480 : vector<4096x128xf32>
    %broadcast_in_dim3A_486 = vector.shape_cast %add3A_483 : vector<1x128xf32> to vector<1x128xf32>
    %broadcast_in_dim3A_487 = vector.broadcast %broadcast_in_dim3A_486 : vector<1x128xf32> to vector<4096x128xf32>
    %select_n3A_488 = arith.select %lt3A_484, %broadcast_in_dim3A_487, %select_n3A_472 : vector<4096x128xi1>, vector<4096x128xf32>
    %get3A_489 = arith.constant 0 : index
    %get3A_490 = arith.constant 3712 : index
    %get3A_491 = vector.load %arg4[%get3A_489, %get3A_490] : memref<1x8192xf32, #tpu.memory_space<vmem>>, vector<1x128xf32>
    %add3A_492 = vector.broadcast %broadcast_in_dim3A : vector<4096x1xf32> to vector<4096x128xf32>
    %add3A_493 = vector.broadcast %get3A_491 : vector<1x128xf32> to vector<4096x128xf32>
    %add3A_494 = arith.addf %add3A_492, %add3A_493 : vector<4096x128xf32>
    %slice3A_495 = vector.extract_strided_slice %dot_general3A_408 {offsets = [0, 640], sizes = [4096, 128], strides = [1, 1]} : vector<4096x1024xf32> to vector<4096x128xf32>
    %add3A_496 = arith.addf %add3A_494, %slice3A_495 : vector<4096x128xf32>
    %add3A_497 = arith.constant 3.712000e+03 : f32
    %add3A_498 = vector.broadcast %add3A_497 : f32 to vector<1x128xf32>
    %add3A_499 = arith.addf %get3A_11, %add3A_498 : vector<1x128xf32>
    %lt3A_500 = arith.cmpf olt, %add3A_496, %min3A_485 : vector<4096x128xf32>
    %min3A_501 = arith.minimumf %min3A_485, %add3A_496 : vector<4096x128xf32>
    %broadcast_in_dim3A_502 = vector.shape_cast %add3A_499 : vector<1x128xf32> to vector<1x128xf32>
    %broadcast_in_dim3A_503 = vector.broadcast %broadcast_in_dim3A_502 : vector<1x128xf32> to vector<4096x128xf32>
    %select_n3A_504 = arith.select %lt3A_500, %broadcast_in_dim3A_503, %select_n3A_488 : vector<4096x128xi1>, vector<4096x128xf32>
    %get3A_505 = arith.constant 0 : index
    %get3A_506 = arith.constant 3840 : index
    %get3A_507 = vector.load %arg4[%get3A_505, %get3A_506] : memref<1x8192xf32, #tpu.memory_space<vmem>>, vector<1x128xf32>
    %add3A_508 = vector.broadcast %broadcast_in_dim3A : vector<4096x1xf32> to vector<4096x128xf32>
    %add3A_509 = vector.broadcast %get3A_507 : vector<1x128xf32> to vector<4096x128xf32>
    %add3A_510 = arith.addf %add3A_508, %add3A_509 : vector<4096x128xf32>
    %slice3A_511 = vector.extract_strided_slice %dot_general3A_408 {offsets = [0, 768], sizes = [4096, 128], strides = [1, 1]} : vector<4096x1024xf32> to vector<4096x128xf32>
    %add3A_512 = arith.addf %add3A_510, %slice3A_511 : vector<4096x128xf32>
    %add3A_513 = arith.constant 3.840000e+03 : f32
    %add3A_514 = vector.broadcast %add3A_513 : f32 to vector<1x128xf32>
    %add3A_515 = arith.addf %get3A_11, %add3A_514 : vector<1x128xf32>
    %lt3A_516 = arith.cmpf olt, %add3A_512, %min3A_501 : vector<4096x128xf32>
    %min3A_517 = arith.minimumf %min3A_501, %add3A_512 : vector<4096x128xf32>
    %broadcast_in_dim3A_518 = vector.shape_cast %add3A_515 : vector<1x128xf32> to vector<1x128xf32>
    %broadcast_in_dim3A_519 = vector.broadcast %broadcast_in_dim3A_518 : vector<1x128xf32> to vector<4096x128xf32>
    %select_n3A_520 = arith.select %lt3A_516, %broadcast_in_dim3A_519, %select_n3A_504 : vector<4096x128xi1>, vector<4096x128xf32>
    %get3A_521 = arith.constant 0 : index
    %get3A_522 = arith.constant 3968 : index
    %get3A_523 = vector.load %arg4[%get3A_521, %get3A_522] : memref<1x8192xf32, #tpu.memory_space<vmem>>, vector<1x128xf32>
    %add3A_524 = vector.broadcast %broadcast_in_dim3A : vector<4096x1xf32> to vector<4096x128xf32>
    %add3A_525 = vector.broadcast %get3A_523 : vector<1x128xf32> to vector<4096x128xf32>
    %add3A_526 = arith.addf %add3A_524, %add3A_525 : vector<4096x128xf32>
    %slice3A_527 = vector.extract_strided_slice %dot_general3A_408 {offsets = [0, 896], sizes = [4096, 128], strides = [1, 1]} : vector<4096x1024xf32> to vector<4096x128xf32>
    %add3A_528 = arith.addf %add3A_526, %slice3A_527 : vector<4096x128xf32>
    %add3A_529 = arith.constant 3.968000e+03 : f32
    %add3A_530 = vector.broadcast %add3A_529 : f32 to vector<1x128xf32>
    %add3A_531 = arith.addf %get3A_11, %add3A_530 : vector<1x128xf32>
    %lt3A_532 = arith.cmpf olt, %add3A_528, %min3A_517 : vector<4096x128xf32>
    %min3A_533 = arith.minimumf %min3A_517, %add3A_528 : vector<4096x128xf32>
    %broadcast_in_dim3A_534 = vector.shape_cast %add3A_531 : vector<1x128xf32> to vector<1x128xf32>
    %broadcast_in_dim3A_535 = vector.broadcast %broadcast_in_dim3A_534 : vector<1x128xf32> to vector<4096x128xf32>
    %select_n3A_536 = arith.select %lt3A_532, %broadcast_in_dim3A_535, %select_n3A_520 : vector<4096x128xi1>, vector<4096x128xf32>
    %get3A_537 = arith.constant 4096 : index
    %get3A_538 = arith.constant 0 : index
    %get3A_539 = vector.load %arg6[%get3A_537, %get3A_538] : memref<8192x32xbf16, #tpu.memory_space<vmem>>, vector<1024x32xbf16>
    %dot_general3A_540 = arith.constant dense<0.000000e+00> : vector<4096x1024xf32>
    %dot_general3A_541 = tpu.matmul %convert_element_type3A_6, %get3A_539, %dot_general3A_540 {dimension_numbers = #tpu.dot_dimension_numbers<[1], [1], [0], [0], [0, 0, 1, 0], [], []>, transpose_lhs_hint = false} : vector<4096x32xbf16>, vector<1024x32xbf16>, vector<4096x1024xf32> -> vector<4096x1024xf32>
    %get3A_542 = arith.constant 0 : index
    %get3A_543 = arith.constant 4096 : index
    %get3A_544 = vector.load %arg4[%get3A_542, %get3A_543] : memref<1x8192xf32, #tpu.memory_space<vmem>>, vector<1x128xf32>
    %add3A_545 = vector.broadcast %broadcast_in_dim3A : vector<4096x1xf32> to vector<4096x128xf32>
    %add3A_546 = vector.broadcast %get3A_544 : vector<1x128xf32> to vector<4096x128xf32>
    %add3A_547 = arith.addf %add3A_545, %add3A_546 : vector<4096x128xf32>
    %slice3A_548 = vector.extract_strided_slice %dot_general3A_541 {offsets = [0, 0], sizes = [4096, 128], strides = [1, 1]} : vector<4096x1024xf32> to vector<4096x128xf32>
    %add3A_549 = arith.addf %add3A_547, %slice3A_548 : vector<4096x128xf32>
    %add3A_550 = arith.constant 4.096000e+03 : f32
    %add3A_551 = vector.broadcast %add3A_550 : f32 to vector<1x128xf32>
    %add3A_552 = arith.addf %get3A_11, %add3A_551 : vector<1x128xf32>
    %lt3A_553 = arith.cmpf olt, %add3A_549, %min3A_533 : vector<4096x128xf32>
    %min3A_554 = arith.minimumf %min3A_533, %add3A_549 : vector<4096x128xf32>
    %broadcast_in_dim3A_555 = vector.shape_cast %add3A_552 : vector<1x128xf32> to vector<1x128xf32>
    %broadcast_in_dim3A_556 = vector.broadcast %broadcast_in_dim3A_555 : vector<1x128xf32> to vector<4096x128xf32>
    %select_n3A_557 = arith.select %lt3A_553, %broadcast_in_dim3A_556, %select_n3A_536 : vector<4096x128xi1>, vector<4096x128xf32>
    %get3A_558 = arith.constant 0 : index
    %get3A_559 = arith.constant 4224 : index
    %get3A_560 = vector.load %arg4[%get3A_558, %get3A_559] : memref<1x8192xf32, #tpu.memory_space<vmem>>, vector<1x128xf32>
    %add3A_561 = vector.broadcast %broadcast_in_dim3A : vector<4096x1xf32> to vector<4096x128xf32>
    %add3A_562 = vector.broadcast %get3A_560 : vector<1x128xf32> to vector<4096x128xf32>
    %add3A_563 = arith.addf %add3A_561, %add3A_562 : vector<4096x128xf32>
    %slice3A_564 = vector.extract_strided_slice %dot_general3A_541 {offsets = [0, 128], sizes = [4096, 128], strides = [1, 1]} : vector<4096x1024xf32> to vector<4096x128xf32>
    %add3A_565 = arith.addf %add3A_563, %slice3A_564 : vector<4096x128xf32>
    %add3A_566 = arith.constant 4.224000e+03 : f32
    %add3A_567 = vector.broadcast %add3A_566 : f32 to vector<1x128xf32>
    %add3A_568 = arith.addf %get3A_11, %add3A_567 : vector<1x128xf32>
    %lt3A_569 = arith.cmpf olt, %add3A_565, %min3A_554 : vector<4096x128xf32>
    %min3A_570 = arith.minimumf %min3A_554, %add3A_565 : vector<4096x128xf32>
    %broadcast_in_dim3A_571 = vector.shape_cast %add3A_568 : vector<1x128xf32> to vector<1x128xf32>
    %broadcast_in_dim3A_572 = vector.broadcast %broadcast_in_dim3A_571 : vector<1x128xf32> to vector<4096x128xf32>
    %select_n3A_573 = arith.select %lt3A_569, %broadcast_in_dim3A_572, %select_n3A_557 : vector<4096x128xi1>, vector<4096x128xf32>
    %get3A_574 = arith.constant 0 : index
    %get3A_575 = arith.constant 4352 : index
    %get3A_576 = vector.load %arg4[%get3A_574, %get3A_575] : memref<1x8192xf32, #tpu.memory_space<vmem>>, vector<1x128xf32>
    %add3A_577 = vector.broadcast %broadcast_in_dim3A : vector<4096x1xf32> to vector<4096x128xf32>
    %add3A_578 = vector.broadcast %get3A_576 : vector<1x128xf32> to vector<4096x128xf32>
    %add3A_579 = arith.addf %add3A_577, %add3A_578 : vector<4096x128xf32>
    %slice3A_580 = vector.extract_strided_slice %dot_general3A_541 {offsets = [0, 256], sizes = [4096, 128], strides = [1, 1]} : vector<4096x1024xf32> to vector<4096x128xf32>
    %add3A_581 = arith.addf %add3A_579, %slice3A_580 : vector<4096x128xf32>
    %add3A_582 = arith.constant 4.352000e+03 : f32
    %add3A_583 = vector.broadcast %add3A_582 : f32 to vector<1x128xf32>
    %add3A_584 = arith.addf %get3A_11, %add3A_583 : vector<1x128xf32>
    %lt3A_585 = arith.cmpf olt, %add3A_581, %min3A_570 : vector<4096x128xf32>
    %min3A_586 = arith.minimumf %min3A_570, %add3A_581 : vector<4096x128xf32>
    %broadcast_in_dim3A_587 = vector.shape_cast %add3A_584 : vector<1x128xf32> to vector<1x128xf32>
    %broadcast_in_dim3A_588 = vector.broadcast %broadcast_in_dim3A_587 : vector<1x128xf32> to vector<4096x128xf32>
    %select_n3A_589 = arith.select %lt3A_585, %broadcast_in_dim3A_588, %select_n3A_573 : vector<4096x128xi1>, vector<4096x128xf32>
    %get3A_590 = arith.constant 0 : index
    %get3A_591 = arith.constant 4480 : index
    %get3A_592 = vector.load %arg4[%get3A_590, %get3A_591] : memref<1x8192xf32, #tpu.memory_space<vmem>>, vector<1x128xf32>
    %add3A_593 = vector.broadcast %broadcast_in_dim3A : vector<4096x1xf32> to vector<4096x128xf32>
    %add3A_594 = vector.broadcast %get3A_592 : vector<1x128xf32> to vector<4096x128xf32>
    %add3A_595 = arith.addf %add3A_593, %add3A_594 : vector<4096x128xf32>
    %slice3A_596 = vector.extract_strided_slice %dot_general3A_541 {offsets = [0, 384], sizes = [4096, 128], strides = [1, 1]} : vector<4096x1024xf32> to vector<4096x128xf32>
    %add3A_597 = arith.addf %add3A_595, %slice3A_596 : vector<4096x128xf32>
    %add3A_598 = arith.constant 4.480000e+03 : f32
    %add3A_599 = vector.broadcast %add3A_598 : f32 to vector<1x128xf32>
    %add3A_600 = arith.addf %get3A_11, %add3A_599 : vector<1x128xf32>
    %lt3A_601 = arith.cmpf olt, %add3A_597, %min3A_586 : vector<4096x128xf32>
    %min3A_602 = arith.minimumf %min3A_586, %add3A_597 : vector<4096x128xf32>
    %broadcast_in_dim3A_603 = vector.shape_cast %add3A_600 : vector<1x128xf32> to vector<1x128xf32>
    %broadcast_in_dim3A_604 = vector.broadcast %broadcast_in_dim3A_603 : vector<1x128xf32> to vector<4096x128xf32>
    %select_n3A_605 = arith.select %lt3A_601, %broadcast_in_dim3A_604, %select_n3A_589 : vector<4096x128xi1>, vector<4096x128xf32>
    %get3A_606 = arith.constant 0 : index
    %get3A_607 = arith.constant 4608 : index
    %get3A_608 = vector.load %arg4[%get3A_606, %get3A_607] : memref<1x8192xf32, #tpu.memory_space<vmem>>, vector<1x128xf32>
    %add3A_609 = vector.broadcast %broadcast_in_dim3A : vector<4096x1xf32> to vector<4096x128xf32>
    %add3A_610 = vector.broadcast %get3A_608 : vector<1x128xf32> to vector<4096x128xf32>
    %add3A_611 = arith.addf %add3A_609, %add3A_610 : vector<4096x128xf32>
    %slice3A_612 = vector.extract_strided_slice %dot_general3A_541 {offsets = [0, 512], sizes = [4096, 128], strides = [1, 1]} : vector<4096x1024xf32> to vector<4096x128xf32>
    %add3A_613 = arith.addf %add3A_611, %slice3A_612 : vector<4096x128xf32>
    %add3A_614 = arith.constant 4.608000e+03 : f32
    %add3A_615 = vector.broadcast %add3A_614 : f32 to vector<1x128xf32>
    %add3A_616 = arith.addf %get3A_11, %add3A_615 : vector<1x128xf32>
    %lt3A_617 = arith.cmpf olt, %add3A_613, %min3A_602 : vector<4096x128xf32>
    %min3A_618 = arith.minimumf %min3A_602, %add3A_613 : vector<4096x128xf32>
    %broadcast_in_dim3A_619 = vector.shape_cast %add3A_616 : vector<1x128xf32> to vector<1x128xf32>
    %broadcast_in_dim3A_620 = vector.broadcast %broadcast_in_dim3A_619 : vector<1x128xf32> to vector<4096x128xf32>
    %select_n3A_621 = arith.select %lt3A_617, %broadcast_in_dim3A_620, %select_n3A_605 : vector<4096x128xi1>, vector<4096x128xf32>
    %get3A_622 = arith.constant 0 : index
    %get3A_623 = arith.constant 4736 : index
    %get3A_624 = vector.load %arg4[%get3A_622, %get3A_623] : memref<1x8192xf32, #tpu.memory_space<vmem>>, vector<1x128xf32>
    %add3A_625 = vector.broadcast %broadcast_in_dim3A : vector<4096x1xf32> to vector<4096x128xf32>
    %add3A_626 = vector.broadcast %get3A_624 : vector<1x128xf32> to vector<4096x128xf32>
    %add3A_627 = arith.addf %add3A_625, %add3A_626 : vector<4096x128xf32>
    %slice3A_628 = vector.extract_strided_slice %dot_general3A_541 {offsets = [0, 640], sizes = [4096, 128], strides = [1, 1]} : vector<4096x1024xf32> to vector<4096x128xf32>
    %add3A_629 = arith.addf %add3A_627, %slice3A_628 : vector<4096x128xf32>
    %add3A_630 = arith.constant 4.736000e+03 : f32
    %add3A_631 = vector.broadcast %add3A_630 : f32 to vector<1x128xf32>
    %add3A_632 = arith.addf %get3A_11, %add3A_631 : vector<1x128xf32>
    %lt3A_633 = arith.cmpf olt, %add3A_629, %min3A_618 : vector<4096x128xf32>
    %min3A_634 = arith.minimumf %min3A_618, %add3A_629 : vector<4096x128xf32>
    %broadcast_in_dim3A_635 = vector.shape_cast %add3A_632 : vector<1x128xf32> to vector<1x128xf32>
    %broadcast_in_dim3A_636 = vector.broadcast %broadcast_in_dim3A_635 : vector<1x128xf32> to vector<4096x128xf32>
    %select_n3A_637 = arith.select %lt3A_633, %broadcast_in_dim3A_636, %select_n3A_621 : vector<4096x128xi1>, vector<4096x128xf32>
    %get3A_638 = arith.constant 0 : index
    %get3A_639 = arith.constant 4864 : index
    %get3A_640 = vector.load %arg4[%get3A_638, %get3A_639] : memref<1x8192xf32, #tpu.memory_space<vmem>>, vector<1x128xf32>
    %add3A_641 = vector.broadcast %broadcast_in_dim3A : vector<4096x1xf32> to vector<4096x128xf32>
    %add3A_642 = vector.broadcast %get3A_640 : vector<1x128xf32> to vector<4096x128xf32>
    %add3A_643 = arith.addf %add3A_641, %add3A_642 : vector<4096x128xf32>
    %slice3A_644 = vector.extract_strided_slice %dot_general3A_541 {offsets = [0, 768], sizes = [4096, 128], strides = [1, 1]} : vector<4096x1024xf32> to vector<4096x128xf32>
    %add3A_645 = arith.addf %add3A_643, %slice3A_644 : vector<4096x128xf32>
    %add3A_646 = arith.constant 4.864000e+03 : f32
    %add3A_647 = vector.broadcast %add3A_646 : f32 to vector<1x128xf32>
    %add3A_648 = arith.addf %get3A_11, %add3A_647 : vector<1x128xf32>
    %lt3A_649 = arith.cmpf olt, %add3A_645, %min3A_634 : vector<4096x128xf32>
    %min3A_650 = arith.minimumf %min3A_634, %add3A_645 : vector<4096x128xf32>
    %broadcast_in_dim3A_651 = vector.shape_cast %add3A_648 : vector<1x128xf32> to vector<1x128xf32>
    %broadcast_in_dim3A_652 = vector.broadcast %broadcast_in_dim3A_651 : vector<1x128xf32> to vector<4096x128xf32>
    %select_n3A_653 = arith.select %lt3A_649, %broadcast_in_dim3A_652, %select_n3A_637 : vector<4096x128xi1>, vector<4096x128xf32>
    %get3A_654 = arith.constant 0 : index
    %get3A_655 = arith.constant 4992 : index
    %get3A_656 = vector.load %arg4[%get3A_654, %get3A_655] : memref<1x8192xf32, #tpu.memory_space<vmem>>, vector<1x128xf32>
    %add3A_657 = vector.broadcast %broadcast_in_dim3A : vector<4096x1xf32> to vector<4096x128xf32>
    %add3A_658 = vector.broadcast %get3A_656 : vector<1x128xf32> to vector<4096x128xf32>
    %add3A_659 = arith.addf %add3A_657, %add3A_658 : vector<4096x128xf32>
    %slice3A_660 = vector.extract_strided_slice %dot_general3A_541 {offsets = [0, 896], sizes = [4096, 128], strides = [1, 1]} : vector<4096x1024xf32> to vector<4096x128xf32>
    %add3A_661 = arith.addf %add3A_659, %slice3A_660 : vector<4096x128xf32>
    %add3A_662 = arith.constant 4.992000e+03 : f32
    %add3A_663 = vector.broadcast %add3A_662 : f32 to vector<1x128xf32>
    %add3A_664 = arith.addf %get3A_11, %add3A_663 : vector<1x128xf32>
    %lt3A_665 = arith.cmpf olt, %add3A_661, %min3A_650 : vector<4096x128xf32>
    %min3A_666 = arith.minimumf %min3A_650, %add3A_661 : vector<4096x128xf32>
    %broadcast_in_dim3A_667 = vector.shape_cast %add3A_664 : vector<1x128xf32> to vector<1x128xf32>
    %broadcast_in_dim3A_668 = vector.broadcast %broadcast_in_dim3A_667 : vector<1x128xf32> to vector<4096x128xf32>
    %select_n3A_669 = arith.select %lt3A_665, %broadcast_in_dim3A_668, %select_n3A_653 : vector<4096x128xi1>, vector<4096x128xf32>
    %get3A_670 = arith.constant 5120 : index
    %get3A_671 = arith.constant 0 : index
    %get3A_672 = vector.load %arg6[%get3A_670, %get3A_671] : memref<8192x32xbf16, #tpu.memory_space<vmem>>, vector<1024x32xbf16>
    %dot_general3A_673 = arith.constant dense<0.000000e+00> : vector<4096x1024xf32>
    %dot_general3A_674 = tpu.matmul %convert_element_type3A_6, %get3A_672, %dot_general3A_673 {dimension_numbers = #tpu.dot_dimension_numbers<[1], [1], [0], [0], [0, 0, 1, 0], [], []>, transpose_lhs_hint = false} : vector<4096x32xbf16>, vector<1024x32xbf16>, vector<4096x1024xf32> -> vector<4096x1024xf32>
    %get3A_675 = arith.constant 0 : index
    %get3A_676 = arith.constant 5120 : index
    %get3A_677 = vector.load %arg4[%get3A_675, %get3A_676] : memref<1x8192xf32, #tpu.memory_space<vmem>>, vector<1x128xf32>
    %add3A_678 = vector.broadcast %broadcast_in_dim3A : vector<4096x1xf32> to vector<4096x128xf32>
    %add3A_679 = vector.broadcast %get3A_677 : vector<1x128xf32> to vector<4096x128xf32>
    %add3A_680 = arith.addf %add3A_678, %add3A_679 : vector<4096x128xf32>
    %slice3A_681 = vector.extract_strided_slice %dot_general3A_674 {offsets = [0, 0], sizes = [4096, 128], strides = [1, 1]} : vector<4096x1024xf32> to vector<4096x128xf32>
    %add3A_682 = arith.addf %add3A_680, %slice3A_681 : vector<4096x128xf32>
    %add3A_683 = arith.constant 5.120000e+03 : f32
    %add3A_684 = vector.broadcast %add3A_683 : f32 to vector<1x128xf32>
    %add3A_685 = arith.addf %get3A_11, %add3A_684 : vector<1x128xf32>
    %lt3A_686 = arith.cmpf olt, %add3A_682, %min3A_666 : vector<4096x128xf32>
    %min3A_687 = arith.minimumf %min3A_666, %add3A_682 : vector<4096x128xf32>
    %broadcast_in_dim3A_688 = vector.shape_cast %add3A_685 : vector<1x128xf32> to vector<1x128xf32>
    %broadcast_in_dim3A_689 = vector.broadcast %broadcast_in_dim3A_688 : vector<1x128xf32> to vector<4096x128xf32>
    %select_n3A_690 = arith.select %lt3A_686, %broadcast_in_dim3A_689, %select_n3A_669 : vector<4096x128xi1>, vector<4096x128xf32>
    %get3A_691 = arith.constant 0 : index
    %get3A_692 = arith.constant 5248 : index
    %get3A_693 = vector.load %arg4[%get3A_691, %get3A_692] : memref<1x8192xf32, #tpu.memory_space<vmem>>, vector<1x128xf32>
    %add3A_694 = vector.broadcast %broadcast_in_dim3A : vector<4096x1xf32> to vector<4096x128xf32>
    %add3A_695 = vector.broadcast %get3A_693 : vector<1x128xf32> to vector<4096x128xf32>
    %add3A_696 = arith.addf %add3A_694, %add3A_695 : vector<4096x128xf32>
    %slice3A_697 = vector.extract_strided_slice %dot_general3A_674 {offsets = [0, 128], sizes = [4096, 128], strides = [1, 1]} : vector<4096x1024xf32> to vector<4096x128xf32>
    %add3A_698 = arith.addf %add3A_696, %slice3A_697 : vector<4096x128xf32>
    %add3A_699 = arith.constant 5.248000e+03 : f32
    %add3A_700 = vector.broadcast %add3A_699 : f32 to vector<1x128xf32>
    %add3A_701 = arith.addf %get3A_11, %add3A_700 : vector<1x128xf32>
    %lt3A_702 = arith.cmpf olt, %add3A_698, %min3A_687 : vector<4096x128xf32>
    %min3A_703 = arith.minimumf %min3A_687, %add3A_698 : vector<4096x128xf32>
    %broadcast_in_dim3A_704 = vector.shape_cast %add3A_701 : vector<1x128xf32> to vector<1x128xf32>
    %broadcast_in_dim3A_705 = vector.broadcast %broadcast_in_dim3A_704 : vector<1x128xf32> to vector<4096x128xf32>
    %select_n3A_706 = arith.select %lt3A_702, %broadcast_in_dim3A_705, %select_n3A_690 : vector<4096x128xi1>, vector<4096x128xf32>
    %get3A_707 = arith.constant 0 : index
    %get3A_708 = arith.constant 5376 : index
    %get3A_709 = vector.load %arg4[%get3A_707, %get3A_708] : memref<1x8192xf32, #tpu.memory_space<vmem>>, vector<1x128xf32>
    %add3A_710 = vector.broadcast %broadcast_in_dim3A : vector<4096x1xf32> to vector<4096x128xf32>
    %add3A_711 = vector.broadcast %get3A_709 : vector<1x128xf32> to vector<4096x128xf32>
    %add3A_712 = arith.addf %add3A_710, %add3A_711 : vector<4096x128xf32>
    %slice3A_713 = vector.extract_strided_slice %dot_general3A_674 {offsets = [0, 256], sizes = [4096, 128], strides = [1, 1]} : vector<4096x1024xf32> to vector<4096x128xf32>
    %add3A_714 = arith.addf %add3A_712, %slice3A_713 : vector<4096x128xf32>
    %add3A_715 = arith.constant 5.376000e+03 : f32
    %add3A_716 = vector.broadcast %add3A_715 : f32 to vector<1x128xf32>
    %add3A_717 = arith.addf %get3A_11, %add3A_716 : vector<1x128xf32>
    %lt3A_718 = arith.cmpf olt, %add3A_714, %min3A_703 : vector<4096x128xf32>
    %min3A_719 = arith.minimumf %min3A_703, %add3A_714 : vector<4096x128xf32>
    %broadcast_in_dim3A_720 = vector.shape_cast %add3A_717 : vector<1x128xf32> to vector<1x128xf32>
    %broadcast_in_dim3A_721 = vector.broadcast %broadcast_in_dim3A_720 : vector<1x128xf32> to vector<4096x128xf32>
    %select_n3A_722 = arith.select %lt3A_718, %broadcast_in_dim3A_721, %select_n3A_706 : vector<4096x128xi1>, vector<4096x128xf32>
    %get3A_723 = arith.constant 0 : index
    %get3A_724 = arith.constant 5504 : index
    %get3A_725 = vector.load %arg4[%get3A_723, %get3A_724] : memref<1x8192xf32, #tpu.memory_space<vmem>>, vector<1x128xf32>
    %add3A_726 = vector.broadcast %broadcast_in_dim3A : vector<4096x1xf32> to vector<4096x128xf32>
    %add3A_727 = vector.broadcast %get3A_725 : vector<1x128xf32> to vector<4096x128xf32>
    %add3A_728 = arith.addf %add3A_726, %add3A_727 : vector<4096x128xf32>
    %slice3A_729 = vector.extract_strided_slice %dot_general3A_674 {offsets = [0, 384], sizes = [4096, 128], strides = [1, 1]} : vector<4096x1024xf32> to vector<4096x128xf32>
    %add3A_730 = arith.addf %add3A_728, %slice3A_729 : vector<4096x128xf32>
    %add3A_731 = arith.constant 5.504000e+03 : f32
    %add3A_732 = vector.broadcast %add3A_731 : f32 to vector<1x128xf32>
    %add3A_733 = arith.addf %get3A_11, %add3A_732 : vector<1x128xf32>
    %lt3A_734 = arith.cmpf olt, %add3A_730, %min3A_719 : vector<4096x128xf32>
    %min3A_735 = arith.minimumf %min3A_719, %add3A_730 : vector<4096x128xf32>
    %broadcast_in_dim3A_736 = vector.shape_cast %add3A_733 : vector<1x128xf32> to vector<1x128xf32>
    %broadcast_in_dim3A_737 = vector.broadcast %broadcast_in_dim3A_736 : vector<1x128xf32> to vector<4096x128xf32>
    %select_n3A_738 = arith.select %lt3A_734, %broadcast_in_dim3A_737, %select_n3A_722 : vector<4096x128xi1>, vector<4096x128xf32>
    %get3A_739 = arith.constant 0 : index
    %get3A_740 = arith.constant 5632 : index
    %get3A_741 = vector.load %arg4[%get3A_739, %get3A_740] : memref<1x8192xf32, #tpu.memory_space<vmem>>, vector<1x128xf32>
    %add3A_742 = vector.broadcast %broadcast_in_dim3A : vector<4096x1xf32> to vector<4096x128xf32>
    %add3A_743 = vector.broadcast %get3A_741 : vector<1x128xf32> to vector<4096x128xf32>
    %add3A_744 = arith.addf %add3A_742, %add3A_743 : vector<4096x128xf32>
    %slice3A_745 = vector.extract_strided_slice %dot_general3A_674 {offsets = [0, 512], sizes = [4096, 128], strides = [1, 1]} : vector<4096x1024xf32> to vector<4096x128xf32>
    %add3A_746 = arith.addf %add3A_744, %slice3A_745 : vector<4096x128xf32>
    %add3A_747 = arith.constant 5.632000e+03 : f32
    %add3A_748 = vector.broadcast %add3A_747 : f32 to vector<1x128xf32>
    %add3A_749 = arith.addf %get3A_11, %add3A_748 : vector<1x128xf32>
    %lt3A_750 = arith.cmpf olt, %add3A_746, %min3A_735 : vector<4096x128xf32>
    %min3A_751 = arith.minimumf %min3A_735, %add3A_746 : vector<4096x128xf32>
    %broadcast_in_dim3A_752 = vector.shape_cast %add3A_749 : vector<1x128xf32> to vector<1x128xf32>
    %broadcast_in_dim3A_753 = vector.broadcast %broadcast_in_dim3A_752 : vector<1x128xf32> to vector<4096x128xf32>
    %select_n3A_754 = arith.select %lt3A_750, %broadcast_in_dim3A_753, %select_n3A_738 : vector<4096x128xi1>, vector<4096x128xf32>
    %get3A_755 = arith.constant 0 : index
    %get3A_756 = arith.constant 5760 : index
    %get3A_757 = vector.load %arg4[%get3A_755, %get3A_756] : memref<1x8192xf32, #tpu.memory_space<vmem>>, vector<1x128xf32>
    %add3A_758 = vector.broadcast %broadcast_in_dim3A : vector<4096x1xf32> to vector<4096x128xf32>
    %add3A_759 = vector.broadcast %get3A_757 : vector<1x128xf32> to vector<4096x128xf32>
    %add3A_760 = arith.addf %add3A_758, %add3A_759 : vector<4096x128xf32>
    %slice3A_761 = vector.extract_strided_slice %dot_general3A_674 {offsets = [0, 640], sizes = [4096, 128], strides = [1, 1]} : vector<4096x1024xf32> to vector<4096x128xf32>
    %add3A_762 = arith.addf %add3A_760, %slice3A_761 : vector<4096x128xf32>
    %add3A_763 = arith.constant 5.760000e+03 : f32
    %add3A_764 = vector.broadcast %add3A_763 : f32 to vector<1x128xf32>
    %add3A_765 = arith.addf %get3A_11, %add3A_764 : vector<1x128xf32>
    %lt3A_766 = arith.cmpf olt, %add3A_762, %min3A_751 : vector<4096x128xf32>
    %min3A_767 = arith.minimumf %min3A_751, %add3A_762 : vector<4096x128xf32>
    %broadcast_in_dim3A_768 = vector.shape_cast %add3A_765 : vector<1x128xf32> to vector<1x128xf32>
    %broadcast_in_dim3A_769 = vector.broadcast %broadcast_in_dim3A_768 : vector<1x128xf32> to vector<4096x128xf32>
    %select_n3A_770 = arith.select %lt3A_766, %broadcast_in_dim3A_769, %select_n3A_754 : vector<4096x128xi1>, vector<4096x128xf32>
    %get3A_771 = arith.constant 0 : index
    %get3A_772 = arith.constant 5888 : index
    %get3A_773 = vector.load %arg4[%get3A_771, %get3A_772] : memref<1x8192xf32, #tpu.memory_space<vmem>>, vector<1x128xf32>
    %add3A_774 = vector.broadcast %broadcast_in_dim3A : vector<4096x1xf32> to vector<4096x128xf32>
    %add3A_775 = vector.broadcast %get3A_773 : vector<1x128xf32> to vector<4096x128xf32>
    %add3A_776 = arith.addf %add3A_774, %add3A_775 : vector<4096x128xf32>
    %slice3A_777 = vector.extract_strided_slice %dot_general3A_674 {offsets = [0, 768], sizes = [4096, 128], strides = [1, 1]} : vector<4096x1024xf32> to vector<4096x128xf32>
    %add3A_778 = arith.addf %add3A_776, %slice3A_777 : vector<4096x128xf32>
    %add3A_779 = arith.constant 5.888000e+03 : f32
    %add3A_780 = vector.broadcast %add3A_779 : f32 to vector<1x128xf32>
    %add3A_781 = arith.addf %get3A_11, %add3A_780 : vector<1x128xf32>
    %lt3A_782 = arith.cmpf olt, %add3A_778, %min3A_767 : vector<4096x128xf32>
    %min3A_783 = arith.minimumf %min3A_767, %add3A_778 : vector<4096x128xf32>
    %broadcast_in_dim3A_784 = vector.shape_cast %add3A_781 : vector<1x128xf32> to vector<1x128xf32>
    %broadcast_in_dim3A_785 = vector.broadcast %broadcast_in_dim3A_784 : vector<1x128xf32> to vector<4096x128xf32>
    %select_n3A_786 = arith.select %lt3A_782, %broadcast_in_dim3A_785, %select_n3A_770 : vector<4096x128xi1>, vector<4096x128xf32>
    %get3A_787 = arith.constant 0 : index
    %get3A_788 = arith.constant 6016 : index
    %get3A_789 = vector.load %arg4[%get3A_787, %get3A_788] : memref<1x8192xf32, #tpu.memory_space<vmem>>, vector<1x128xf32>
    %add3A_790 = vector.broadcast %broadcast_in_dim3A : vector<4096x1xf32> to vector<4096x128xf32>
    %add3A_791 = vector.broadcast %get3A_789 : vector<1x128xf32> to vector<4096x128xf32>
    %add3A_792 = arith.addf %add3A_790, %add3A_791 : vector<4096x128xf32>
    %slice3A_793 = vector.extract_strided_slice %dot_general3A_674 {offsets = [0, 896], sizes = [4096, 128], strides = [1, 1]} : vector<4096x1024xf32> to vector<4096x128xf32>
    %add3A_794 = arith.addf %add3A_792, %slice3A_793 : vector<4096x128xf32>
    %add3A_795 = arith.constant 6.016000e+03 : f32
    %add3A_796 = vector.broadcast %add3A_795 : f32 to vector<1x128xf32>
    %add3A_797 = arith.addf %get3A_11, %add3A_796 : vector<1x128xf32>
    %lt3A_798 = arith.cmpf olt, %add3A_794, %min3A_783 : vector<4096x128xf32>
    %min3A_799 = arith.minimumf %min3A_783, %add3A_794 : vector<4096x128xf32>
    %broadcast_in_dim3A_800 = vector.shape_cast %add3A_797 : vector<1x128xf32> to vector<1x128xf32>
    %broadcast_in_dim3A_801 = vector.broadcast %broadcast_in_dim3A_800 : vector<1x128xf32> to vector<4096x128xf32>
    %select_n3A_802 = arith.select %lt3A_798, %broadcast_in_dim3A_801, %select_n3A_786 : vector<4096x128xi1>, vector<4096x128xf32>
    %get3A_803 = arith.constant 6144 : index
    %get3A_804 = arith.constant 0 : index
    %get3A_805 = vector.load %arg6[%get3A_803, %get3A_804] : memref<8192x32xbf16, #tpu.memory_space<vmem>>, vector<1024x32xbf16>
    %dot_general3A_806 = arith.constant dense<0.000000e+00> : vector<4096x1024xf32>
    %dot_general3A_807 = tpu.matmul %convert_element_type3A_6, %get3A_805, %dot_general3A_806 {dimension_numbers = #tpu.dot_dimension_numbers<[1], [1], [0], [0], [0, 0, 1, 0], [], []>, transpose_lhs_hint = false} : vector<4096x32xbf16>, vector<1024x32xbf16>, vector<4096x1024xf32> -> vector<4096x1024xf32>
    %get3A_808 = arith.constant 0 : index
    %get3A_809 = arith.constant 6144 : index
    %get3A_810 = vector.load %arg4[%get3A_808, %get3A_809] : memref<1x8192xf32, #tpu.memory_space<vmem>>, vector<1x128xf32>
    %add3A_811 = vector.broadcast %broadcast_in_dim3A : vector<4096x1xf32> to vector<4096x128xf32>
    %add3A_812 = vector.broadcast %get3A_810 : vector<1x128xf32> to vector<4096x128xf32>
    %add3A_813 = arith.addf %add3A_811, %add3A_812 : vector<4096x128xf32>
    %slice3A_814 = vector.extract_strided_slice %dot_general3A_807 {offsets = [0, 0], sizes = [4096, 128], strides = [1, 1]} : vector<4096x1024xf32> to vector<4096x128xf32>
    %add3A_815 = arith.addf %add3A_813, %slice3A_814 : vector<4096x128xf32>
    %add3A_816 = arith.constant 6.144000e+03 : f32
    %add3A_817 = vector.broadcast %add3A_816 : f32 to vector<1x128xf32>
    %add3A_818 = arith.addf %get3A_11, %add3A_817 : vector<1x128xf32>
    %lt3A_819 = arith.cmpf olt, %add3A_815, %min3A_799 : vector<4096x128xf32>
    %min3A_820 = arith.minimumf %min3A_799, %add3A_815 : vector<4096x128xf32>
    %broadcast_in_dim3A_821 = vector.shape_cast %add3A_818 : vector<1x128xf32> to vector<1x128xf32>
    %broadcast_in_dim3A_822 = vector.broadcast %broadcast_in_dim3A_821 : vector<1x128xf32> to vector<4096x128xf32>
    %select_n3A_823 = arith.select %lt3A_819, %broadcast_in_dim3A_822, %select_n3A_802 : vector<4096x128xi1>, vector<4096x128xf32>
    %get3A_824 = arith.constant 0 : index
    %get3A_825 = arith.constant 6272 : index
    %get3A_826 = vector.load %arg4[%get3A_824, %get3A_825] : memref<1x8192xf32, #tpu.memory_space<vmem>>, vector<1x128xf32>
    %add3A_827 = vector.broadcast %broadcast_in_dim3A : vector<4096x1xf32> to vector<4096x128xf32>
    %add3A_828 = vector.broadcast %get3A_826 : vector<1x128xf32> to vector<4096x128xf32>
    %add3A_829 = arith.addf %add3A_827, %add3A_828 : vector<4096x128xf32>
    %slice3A_830 = vector.extract_strided_slice %dot_general3A_807 {offsets = [0, 128], sizes = [4096, 128], strides = [1, 1]} : vector<4096x1024xf32> to vector<4096x128xf32>
    %add3A_831 = arith.addf %add3A_829, %slice3A_830 : vector<4096x128xf32>
    %add3A_832 = arith.constant 6.272000e+03 : f32
    %add3A_833 = vector.broadcast %add3A_832 : f32 to vector<1x128xf32>
    %add3A_834 = arith.addf %get3A_11, %add3A_833 : vector<1x128xf32>
    %lt3A_835 = arith.cmpf olt, %add3A_831, %min3A_820 : vector<4096x128xf32>
    %min3A_836 = arith.minimumf %min3A_820, %add3A_831 : vector<4096x128xf32>
    %broadcast_in_dim3A_837 = vector.shape_cast %add3A_834 : vector<1x128xf32> to vector<1x128xf32>
    %broadcast_in_dim3A_838 = vector.broadcast %broadcast_in_dim3A_837 : vector<1x128xf32> to vector<4096x128xf32>
    %select_n3A_839 = arith.select %lt3A_835, %broadcast_in_dim3A_838, %select_n3A_823 : vector<4096x128xi1>, vector<4096x128xf32>
    %get3A_840 = arith.constant 0 : index
    %get3A_841 = arith.constant 6400 : index
    %get3A_842 = vector.load %arg4[%get3A_840, %get3A_841] : memref<1x8192xf32, #tpu.memory_space<vmem>>, vector<1x128xf32>
    %add3A_843 = vector.broadcast %broadcast_in_dim3A : vector<4096x1xf32> to vector<4096x128xf32>
    %add3A_844 = vector.broadcast %get3A_842 : vector<1x128xf32> to vector<4096x128xf32>
    %add3A_845 = arith.addf %add3A_843, %add3A_844 : vector<4096x128xf32>
    %slice3A_846 = vector.extract_strided_slice %dot_general3A_807 {offsets = [0, 256], sizes = [4096, 128], strides = [1, 1]} : vector<4096x1024xf32> to vector<4096x128xf32>
    %add3A_847 = arith.addf %add3A_845, %slice3A_846 : vector<4096x128xf32>
    %add3A_848 = arith.constant 6.400000e+03 : f32
    %add3A_849 = vector.broadcast %add3A_848 : f32 to vector<1x128xf32>
    %add3A_850 = arith.addf %get3A_11, %add3A_849 : vector<1x128xf32>
    %lt3A_851 = arith.cmpf olt, %add3A_847, %min3A_836 : vector<4096x128xf32>
    %min3A_852 = arith.minimumf %min3A_836, %add3A_847 : vector<4096x128xf32>
    %broadcast_in_dim3A_853 = vector.shape_cast %add3A_850 : vector<1x128xf32> to vector<1x128xf32>
    %broadcast_in_dim3A_854 = vector.broadcast %broadcast_in_dim3A_853 : vector<1x128xf32> to vector<4096x128xf32>
    %select_n3A_855 = arith.select %lt3A_851, %broadcast_in_dim3A_854, %select_n3A_839 : vector<4096x128xi1>, vector<4096x128xf32>
    %get3A_856 = arith.constant 0 : index
    %get3A_857 = arith.constant 6528 : index
    %get3A_858 = vector.load %arg4[%get3A_856, %get3A_857] : memref<1x8192xf32, #tpu.memory_space<vmem>>, vector<1x128xf32>
    %add3A_859 = vector.broadcast %broadcast_in_dim3A : vector<4096x1xf32> to vector<4096x128xf32>
    %add3A_860 = vector.broadcast %get3A_858 : vector<1x128xf32> to vector<4096x128xf32>
    %add3A_861 = arith.addf %add3A_859, %add3A_860 : vector<4096x128xf32>
    %slice3A_862 = vector.extract_strided_slice %dot_general3A_807 {offsets = [0, 384], sizes = [4096, 128], strides = [1, 1]} : vector<4096x1024xf32> to vector<4096x128xf32>
    %add3A_863 = arith.addf %add3A_861, %slice3A_862 : vector<4096x128xf32>
    %add3A_864 = arith.constant 6.528000e+03 : f32
    %add3A_865 = vector.broadcast %add3A_864 : f32 to vector<1x128xf32>
    %add3A_866 = arith.addf %get3A_11, %add3A_865 : vector<1x128xf32>
    %lt3A_867 = arith.cmpf olt, %add3A_863, %min3A_852 : vector<4096x128xf32>
    %min3A_868 = arith.minimumf %min3A_852, %add3A_863 : vector<4096x128xf32>
    %broadcast_in_dim3A_869 = vector.shape_cast %add3A_866 : vector<1x128xf32> to vector<1x128xf32>
    %broadcast_in_dim3A_870 = vector.broadcast %broadcast_in_dim3A_869 : vector<1x128xf32> to vector<4096x128xf32>
    %select_n3A_871 = arith.select %lt3A_867, %broadcast_in_dim3A_870, %select_n3A_855 : vector<4096x128xi1>, vector<4096x128xf32>
    %get3A_872 = arith.constant 0 : index
    %get3A_873 = arith.constant 6656 : index
    %get3A_874 = vector.load %arg4[%get3A_872, %get3A_873] : memref<1x8192xf32, #tpu.memory_space<vmem>>, vector<1x128xf32>
    %add3A_875 = vector.broadcast %broadcast_in_dim3A : vector<4096x1xf32> to vector<4096x128xf32>
    %add3A_876 = vector.broadcast %get3A_874 : vector<1x128xf32> to vector<4096x128xf32>
    %add3A_877 = arith.addf %add3A_875, %add3A_876 : vector<4096x128xf32>
    %slice3A_878 = vector.extract_strided_slice %dot_general3A_807 {offsets = [0, 512], sizes = [4096, 128], strides = [1, 1]} : vector<4096x1024xf32> to vector<4096x128xf32>
    %add3A_879 = arith.addf %add3A_877, %slice3A_878 : vector<4096x128xf32>
    %add3A_880 = arith.constant 6.656000e+03 : f32
    %add3A_881 = vector.broadcast %add3A_880 : f32 to vector<1x128xf32>
    %add3A_882 = arith.addf %get3A_11, %add3A_881 : vector<1x128xf32>
    %lt3A_883 = arith.cmpf olt, %add3A_879, %min3A_868 : vector<4096x128xf32>
    %min3A_884 = arith.minimumf %min3A_868, %add3A_879 : vector<4096x128xf32>
    %broadcast_in_dim3A_885 = vector.shape_cast %add3A_882 : vector<1x128xf32> to vector<1x128xf32>
    %broadcast_in_dim3A_886 = vector.broadcast %broadcast_in_dim3A_885 : vector<1x128xf32> to vector<4096x128xf32>
    %select_n3A_887 = arith.select %lt3A_883, %broadcast_in_dim3A_886, %select_n3A_871 : vector<4096x128xi1>, vector<4096x128xf32>
    %get3A_888 = arith.constant 0 : index
    %get3A_889 = arith.constant 6784 : index
    %get3A_890 = vector.load %arg4[%get3A_888, %get3A_889] : memref<1x8192xf32, #tpu.memory_space<vmem>>, vector<1x128xf32>
    %add3A_891 = vector.broadcast %broadcast_in_dim3A : vector<4096x1xf32> to vector<4096x128xf32>
    %add3A_892 = vector.broadcast %get3A_890 : vector<1x128xf32> to vector<4096x128xf32>
    %add3A_893 = arith.addf %add3A_891, %add3A_892 : vector<4096x128xf32>
    %slice3A_894 = vector.extract_strided_slice %dot_general3A_807 {offsets = [0, 640], sizes = [4096, 128], strides = [1, 1]} : vector<4096x1024xf32> to vector<4096x128xf32>
    %add3A_895 = arith.addf %add3A_893, %slice3A_894 : vector<4096x128xf32>
    %add3A_896 = arith.constant 6.784000e+03 : f32
    %add3A_897 = vector.broadcast %add3A_896 : f32 to vector<1x128xf32>
    %add3A_898 = arith.addf %get3A_11, %add3A_897 : vector<1x128xf32>
    %lt3A_899 = arith.cmpf olt, %add3A_895, %min3A_884 : vector<4096x128xf32>
    %min3A_900 = arith.minimumf %min3A_884, %add3A_895 : vector<4096x128xf32>
    %broadcast_in_dim3A_901 = vector.shape_cast %add3A_898 : vector<1x128xf32> to vector<1x128xf32>
    %broadcast_in_dim3A_902 = vector.broadcast %broadcast_in_dim3A_901 : vector<1x128xf32> to vector<4096x128xf32>
    %select_n3A_903 = arith.select %lt3A_899, %broadcast_in_dim3A_902, %select_n3A_887 : vector<4096x128xi1>, vector<4096x128xf32>
    %get3A_904 = arith.constant 0 : index
    %get3A_905 = arith.constant 6912 : index
    %get3A_906 = vector.load %arg4[%get3A_904, %get3A_905] : memref<1x8192xf32, #tpu.memory_space<vmem>>, vector<1x128xf32>
    %add3A_907 = vector.broadcast %broadcast_in_dim3A : vector<4096x1xf32> to vector<4096x128xf32>
    %add3A_908 = vector.broadcast %get3A_906 : vector<1x128xf32> to vector<4096x128xf32>
    %add3A_909 = arith.addf %add3A_907, %add3A_908 : vector<4096x128xf32>
    %slice3A_910 = vector.extract_strided_slice %dot_general3A_807 {offsets = [0, 768], sizes = [4096, 128], strides = [1, 1]} : vector<4096x1024xf32> to vector<4096x128xf32>
    %add3A_911 = arith.addf %add3A_909, %slice3A_910 : vector<4096x128xf32>
    %add3A_912 = arith.constant 6.912000e+03 : f32
    %add3A_913 = vector.broadcast %add3A_912 : f32 to vector<1x128xf32>
    %add3A_914 = arith.addf %get3A_11, %add3A_913 : vector<1x128xf32>
    %lt3A_915 = arith.cmpf olt, %add3A_911, %min3A_900 : vector<4096x128xf32>
    %min3A_916 = arith.minimumf %min3A_900, %add3A_911 : vector<4096x128xf32>
    %broadcast_in_dim3A_917 = vector.shape_cast %add3A_914 : vector<1x128xf32> to vector<1x128xf32>
    %broadcast_in_dim3A_918 = vector.broadcast %broadcast_in_dim3A_917 : vector<1x128xf32> to vector<4096x128xf32>
    %select_n3A_919 = arith.select %lt3A_915, %broadcast_in_dim3A_918, %select_n3A_903 : vector<4096x128xi1>, vector<4096x128xf32>
    %get3A_920 = arith.constant 0 : index
    %get3A_921 = arith.constant 7040 : index
    %get3A_922 = vector.load %arg4[%get3A_920, %get3A_921] : memref<1x8192xf32, #tpu.memory_space<vmem>>, vector<1x128xf32>
    %add3A_923 = vector.broadcast %broadcast_in_dim3A : vector<4096x1xf32> to vector<4096x128xf32>
    %add3A_924 = vector.broadcast %get3A_922 : vector<1x128xf32> to vector<4096x128xf32>
    %add3A_925 = arith.addf %add3A_923, %add3A_924 : vector<4096x128xf32>
    %slice3A_926 = vector.extract_strided_slice %dot_general3A_807 {offsets = [0, 896], sizes = [4096, 128], strides = [1, 1]} : vector<4096x1024xf32> to vector<4096x128xf32>
    %add3A_927 = arith.addf %add3A_925, %slice3A_926 : vector<4096x128xf32>
    %add3A_928 = arith.constant 7.040000e+03 : f32
    %add3A_929 = vector.broadcast %add3A_928 : f32 to vector<1x128xf32>
    %add3A_930 = arith.addf %get3A_11, %add3A_929 : vector<1x128xf32>
    %lt3A_931 = arith.cmpf olt, %add3A_927, %min3A_916 : vector<4096x128xf32>
    %min3A_932 = arith.minimumf %min3A_916, %add3A_927 : vector<4096x128xf32>
    %broadcast_in_dim3A_933 = vector.shape_cast %add3A_930 : vector<1x128xf32> to vector<1x128xf32>
    %broadcast_in_dim3A_934 = vector.broadcast %broadcast_in_dim3A_933 : vector<1x128xf32> to vector<4096x128xf32>
    %select_n3A_935 = arith.select %lt3A_931, %broadcast_in_dim3A_934, %select_n3A_919 : vector<4096x128xi1>, vector<4096x128xf32>
    %get3A_936 = arith.constant 7168 : index
    %get3A_937 = arith.constant 0 : index
    %get3A_938 = vector.load %arg6[%get3A_936, %get3A_937] : memref<8192x32xbf16, #tpu.memory_space<vmem>>, vector<1024x32xbf16>
    %dot_general3A_939 = arith.constant dense<0.000000e+00> : vector<4096x1024xf32>
    %dot_general3A_940 = tpu.matmul %convert_element_type3A_6, %get3A_938, %dot_general3A_939 {dimension_numbers = #tpu.dot_dimension_numbers<[1], [1], [0], [0], [0, 0, 1, 0], [], []>, transpose_lhs_hint = false} : vector<4096x32xbf16>, vector<1024x32xbf16>, vector<4096x1024xf32> -> vector<4096x1024xf32>
    %get3A_941 = arith.constant 0 : index
    %get3A_942 = arith.constant 7168 : index
    %get3A_943 = vector.load %arg4[%get3A_941, %get3A_942] : memref<1x8192xf32, #tpu.memory_space<vmem>>, vector<1x128xf32>
    %add3A_944 = vector.broadcast %broadcast_in_dim3A : vector<4096x1xf32> to vector<4096x128xf32>
    %add3A_945 = vector.broadcast %get3A_943 : vector<1x128xf32> to vector<4096x128xf32>
    %add3A_946 = arith.addf %add3A_944, %add3A_945 : vector<4096x128xf32>
    %slice3A_947 = vector.extract_strided_slice %dot_general3A_940 {offsets = [0, 0], sizes = [4096, 128], strides = [1, 1]} : vector<4096x1024xf32> to vector<4096x128xf32>
    %add3A_948 = arith.addf %add3A_946, %slice3A_947 : vector<4096x128xf32>
    %add3A_949 = arith.constant 7.168000e+03 : f32
    %add3A_950 = vector.broadcast %add3A_949 : f32 to vector<1x128xf32>
    %add3A_951 = arith.addf %get3A_11, %add3A_950 : vector<1x128xf32>
    %lt3A_952 = arith.cmpf olt, %add3A_948, %min3A_932 : vector<4096x128xf32>
    %min3A_953 = arith.minimumf %min3A_932, %add3A_948 : vector<4096x128xf32>
    %broadcast_in_dim3A_954 = vector.shape_cast %add3A_951 : vector<1x128xf32> to vector<1x128xf32>
    %broadcast_in_dim3A_955 = vector.broadcast %broadcast_in_dim3A_954 : vector<1x128xf32> to vector<4096x128xf32>
    %select_n3A_956 = arith.select %lt3A_952, %broadcast_in_dim3A_955, %select_n3A_935 : vector<4096x128xi1>, vector<4096x128xf32>
    %get3A_957 = arith.constant 0 : index
    %get3A_958 = arith.constant 7296 : index
    %get3A_959 = vector.load %arg4[%get3A_957, %get3A_958] : memref<1x8192xf32, #tpu.memory_space<vmem>>, vector<1x128xf32>
    %add3A_960 = vector.broadcast %broadcast_in_dim3A : vector<4096x1xf32> to vector<4096x128xf32>
    %add3A_961 = vector.broadcast %get3A_959 : vector<1x128xf32> to vector<4096x128xf32>
    %add3A_962 = arith.addf %add3A_960, %add3A_961 : vector<4096x128xf32>
    %slice3A_963 = vector.extract_strided_slice %dot_general3A_940 {offsets = [0, 128], sizes = [4096, 128], strides = [1, 1]} : vector<4096x1024xf32> to vector<4096x128xf32>
    %add3A_964 = arith.addf %add3A_962, %slice3A_963 : vector<4096x128xf32>
    %add3A_965 = arith.constant 7.296000e+03 : f32
    %add3A_966 = vector.broadcast %add3A_965 : f32 to vector<1x128xf32>
    %add3A_967 = arith.addf %get3A_11, %add3A_966 : vector<1x128xf32>
    %lt3A_968 = arith.cmpf olt, %add3A_964, %min3A_953 : vector<4096x128xf32>
    %min3A_969 = arith.minimumf %min3A_953, %add3A_964 : vector<4096x128xf32>
    %broadcast_in_dim3A_970 = vector.shape_cast %add3A_967 : vector<1x128xf32> to vector<1x128xf32>
    %broadcast_in_dim3A_971 = vector.broadcast %broadcast_in_dim3A_970 : vector<1x128xf32> to vector<4096x128xf32>
    %select_n3A_972 = arith.select %lt3A_968, %broadcast_in_dim3A_971, %select_n3A_956 : vector<4096x128xi1>, vector<4096x128xf32>
    %get3A_973 = arith.constant 0 : index
    %get3A_974 = arith.constant 7424 : index
    %get3A_975 = vector.load %arg4[%get3A_973, %get3A_974] : memref<1x8192xf32, #tpu.memory_space<vmem>>, vector<1x128xf32>
    %add3A_976 = vector.broadcast %broadcast_in_dim3A : vector<4096x1xf32> to vector<4096x128xf32>
    %add3A_977 = vector.broadcast %get3A_975 : vector<1x128xf32> to vector<4096x128xf32>
    %add3A_978 = arith.addf %add3A_976, %add3A_977 : vector<4096x128xf32>
    %slice3A_979 = vector.extract_strided_slice %dot_general3A_940 {offsets = [0, 256], sizes = [4096, 128], strides = [1, 1]} : vector<4096x1024xf32> to vector<4096x128xf32>
    %add3A_980 = arith.addf %add3A_978, %slice3A_979 : vector<4096x128xf32>
    %add3A_981 = arith.constant 7.424000e+03 : f32
    %add3A_982 = vector.broadcast %add3A_981 : f32 to vector<1x128xf32>
    %add3A_983 = arith.addf %get3A_11, %add3A_982 : vector<1x128xf32>
    %lt3A_984 = arith.cmpf olt, %add3A_980, %min3A_969 : vector<4096x128xf32>
    %min3A_985 = arith.minimumf %min3A_969, %add3A_980 : vector<4096x128xf32>
    %broadcast_in_dim3A_986 = vector.shape_cast %add3A_983 : vector<1x128xf32> to vector<1x128xf32>
    %broadcast_in_dim3A_987 = vector.broadcast %broadcast_in_dim3A_986 : vector<1x128xf32> to vector<4096x128xf32>
    %select_n3A_988 = arith.select %lt3A_984, %broadcast_in_dim3A_987, %select_n3A_972 : vector<4096x128xi1>, vector<4096x128xf32>
    %get3A_989 = arith.constant 0 : index
    %get3A_990 = arith.constant 7552 : index
    %get3A_991 = vector.load %arg4[%get3A_989, %get3A_990] : memref<1x8192xf32, #tpu.memory_space<vmem>>, vector<1x128xf32>
    %add3A_992 = vector.broadcast %broadcast_in_dim3A : vector<4096x1xf32> to vector<4096x128xf32>
    %add3A_993 = vector.broadcast %get3A_991 : vector<1x128xf32> to vector<4096x128xf32>
    %add3A_994 = arith.addf %add3A_992, %add3A_993 : vector<4096x128xf32>
    %slice3A_995 = vector.extract_strided_slice %dot_general3A_940 {offsets = [0, 384], sizes = [4096, 128], strides = [1, 1]} : vector<4096x1024xf32> to vector<4096x128xf32>
    %add3A_996 = arith.addf %add3A_994, %slice3A_995 : vector<4096x128xf32>
    %add3A_997 = arith.constant 7.552000e+03 : f32
    %add3A_998 = vector.broadcast %add3A_997 : f32 to vector<1x128xf32>
    %add3A_999 = arith.addf %get3A_11, %add3A_998 : vector<1x128xf32>
    %lt3A_1000 = arith.cmpf olt, %add3A_996, %min3A_985 : vector<4096x128xf32>
    %min3A_1001 = arith.minimumf %min3A_985, %add3A_996 : vector<4096x128xf32>
    %broadcast_in_dim3A_1002 = vector.shape_cast %add3A_999 : vector<1x128xf32> to vector<1x128xf32>
    %broadcast_in_dim3A_1003 = vector.broadcast %broadcast_in_dim3A_1002 : vector<1x128xf32> to vector<4096x128xf32>
    %select_n3A_1004 = arith.select %lt3A_1000, %broadcast_in_dim3A_1003, %select_n3A_988 : vector<4096x128xi1>, vector<4096x128xf32>
    %get3A_1005 = arith.constant 0 : index
    %get3A_1006 = arith.constant 7680 : index
    %get3A_1007 = vector.load %arg4[%get3A_1005, %get3A_1006] : memref<1x8192xf32, #tpu.memory_space<vmem>>, vector<1x128xf32>
    %add3A_1008 = vector.broadcast %broadcast_in_dim3A : vector<4096x1xf32> to vector<4096x128xf32>
    %add3A_1009 = vector.broadcast %get3A_1007 : vector<1x128xf32> to vector<4096x128xf32>
    %add3A_1010 = arith.addf %add3A_1008, %add3A_1009 : vector<4096x128xf32>
    %slice3A_1011 = vector.extract_strided_slice %dot_general3A_940 {offsets = [0, 512], sizes = [4096, 128], strides = [1, 1]} : vector<4096x1024xf32> to vector<4096x128xf32>
    %add3A_1012 = arith.addf %add3A_1010, %slice3A_1011 : vector<4096x128xf32>
    %add3A_1013 = arith.constant 7.680000e+03 : f32
    %add3A_1014 = vector.broadcast %add3A_1013 : f32 to vector<1x128xf32>
    %add3A_1015 = arith.addf %get3A_11, %add3A_1014 : vector<1x128xf32>
    %lt3A_1016 = arith.cmpf olt, %add3A_1012, %min3A_1001 : vector<4096x128xf32>
    %min3A_1017 = arith.minimumf %min3A_1001, %add3A_1012 : vector<4096x128xf32>
    %broadcast_in_dim3A_1018 = vector.shape_cast %add3A_1015 : vector<1x128xf32> to vector<1x128xf32>
    %broadcast_in_dim3A_1019 = vector.broadcast %broadcast_in_dim3A_1018 : vector<1x128xf32> to vector<4096x128xf32>
    %select_n3A_1020 = arith.select %lt3A_1016, %broadcast_in_dim3A_1019, %select_n3A_1004 : vector<4096x128xi1>, vector<4096x128xf32>
    %get3A_1021 = arith.constant 0 : index
    %get3A_1022 = arith.constant 7808 : index
    %get3A_1023 = vector.load %arg4[%get3A_1021, %get3A_1022] : memref<1x8192xf32, #tpu.memory_space<vmem>>, vector<1x128xf32>
    %add3A_1024 = vector.broadcast %broadcast_in_dim3A : vector<4096x1xf32> to vector<4096x128xf32>
    %add3A_1025 = vector.broadcast %get3A_1023 : vector<1x128xf32> to vector<4096x128xf32>
    %add3A_1026 = arith.addf %add3A_1024, %add3A_1025 : vector<4096x128xf32>
    %slice3A_1027 = vector.extract_strided_slice %dot_general3A_940 {offsets = [0, 640], sizes = [4096, 128], strides = [1, 1]} : vector<4096x1024xf32> to vector<4096x128xf32>
    %add3A_1028 = arith.addf %add3A_1026, %slice3A_1027 : vector<4096x128xf32>
    %add3A_1029 = arith.constant 7.808000e+03 : f32
    %add3A_1030 = vector.broadcast %add3A_1029 : f32 to vector<1x128xf32>
    %add3A_1031 = arith.addf %get3A_11, %add3A_1030 : vector<1x128xf32>
    %lt3A_1032 = arith.cmpf olt, %add3A_1028, %min3A_1017 : vector<4096x128xf32>
    %min3A_1033 = arith.minimumf %min3A_1017, %add3A_1028 : vector<4096x128xf32>
    %broadcast_in_dim3A_1034 = vector.shape_cast %add3A_1031 : vector<1x128xf32> to vector<1x128xf32>
    %broadcast_in_dim3A_1035 = vector.broadcast %broadcast_in_dim3A_1034 : vector<1x128xf32> to vector<4096x128xf32>
    %select_n3A_1036 = arith.select %lt3A_1032, %broadcast_in_dim3A_1035, %select_n3A_1020 : vector<4096x128xi1>, vector<4096x128xf32>
    %get3A_1037 = arith.constant 0 : index
    %get3A_1038 = arith.constant 7936 : index
    %get3A_1039 = vector.load %arg4[%get3A_1037, %get3A_1038] : memref<1x8192xf32, #tpu.memory_space<vmem>>, vector<1x128xf32>
    %add3A_1040 = vector.broadcast %broadcast_in_dim3A : vector<4096x1xf32> to vector<4096x128xf32>
    %add3A_1041 = vector.broadcast %get3A_1039 : vector<1x128xf32> to vector<4096x128xf32>
    %add3A_1042 = arith.addf %add3A_1040, %add3A_1041 : vector<4096x128xf32>
    %slice3A_1043 = vector.extract_strided_slice %dot_general3A_940 {offsets = [0, 768], sizes = [4096, 128], strides = [1, 1]} : vector<4096x1024xf32> to vector<4096x128xf32>
    %add3A_1044 = arith.addf %add3A_1042, %slice3A_1043 : vector<4096x128xf32>
    %add3A_1045 = arith.constant 7.936000e+03 : f32
    %add3A_1046 = vector.broadcast %add3A_1045 : f32 to vector<1x128xf32>
    %add3A_1047 = arith.addf %get3A_11, %add3A_1046 : vector<1x128xf32>
    %lt3A_1048 = arith.cmpf olt, %add3A_1044, %min3A_1033 : vector<4096x128xf32>
    %min3A_1049 = arith.minimumf %min3A_1033, %add3A_1044 : vector<4096x128xf32>
    %broadcast_in_dim3A_1050 = vector.shape_cast %add3A_1047 : vector<1x128xf32> to vector<1x128xf32>
    %broadcast_in_dim3A_1051 = vector.broadcast %broadcast_in_dim3A_1050 : vector<1x128xf32> to vector<4096x128xf32>
    %select_n3A_1052 = arith.select %lt3A_1048, %broadcast_in_dim3A_1051, %select_n3A_1036 : vector<4096x128xi1>, vector<4096x128xf32>
    %get3A_1053 = arith.constant 0 : index
    %get3A_1054 = arith.constant 8064 : index
    %get3A_1055 = vector.load %arg4[%get3A_1053, %get3A_1054] : memref<1x8192xf32, #tpu.memory_space<vmem>>, vector<1x128xf32>
    %add3A_1056 = vector.broadcast %broadcast_in_dim3A : vector<4096x1xf32> to vector<4096x128xf32>
    %add3A_1057 = vector.broadcast %get3A_1055 : vector<1x128xf32> to vector<4096x128xf32>
    %add3A_1058 = arith.addf %add3A_1056, %add3A_1057 : vector<4096x128xf32>
    %slice3A_1059 = vector.extract_strided_slice %dot_general3A_940 {offsets = [0, 896], sizes = [4096, 128], strides = [1, 1]} : vector<4096x1024xf32> to vector<4096x128xf32>
    %add3A_1060 = arith.addf %add3A_1058, %slice3A_1059 : vector<4096x128xf32>
    %add3A_1061 = arith.constant 8.064000e+03 : f32
    %add3A_1062 = vector.broadcast %add3A_1061 : f32 to vector<1x128xf32>
    %add3A_1063 = arith.addf %get3A_11, %add3A_1062 : vector<1x128xf32>
    %lt3A_1064 = arith.cmpf olt, %add3A_1060, %min3A_1049 : vector<4096x128xf32>
    %min3A_1065 = arith.minimumf %min3A_1049, %add3A_1060 : vector<4096x128xf32>
    %broadcast_in_dim3A_1066 = vector.shape_cast %add3A_1063 : vector<1x128xf32> to vector<1x128xf32>
    %broadcast_in_dim3A_1067 = vector.broadcast %broadcast_in_dim3A_1066 : vector<1x128xf32> to vector<4096x128xf32>
    %select_n3A_1068 = arith.select %lt3A_1064, %broadcast_in_dim3A_1067, %select_n3A_1052 : vector<4096x128xi1>, vector<4096x128xf32>
    %reduce_min3A = arith.constant dense<0x7F800000> : vector<4096xf32>
    %reduce_min3A_1069 = vector.multi_reduction <minimumf>, %min3A_1065, %reduce_min3A [1] : vector<4096x128xf32> to vector<4096xf32>
    %broadcast_in_dim3A_1070 = vector.shape_cast %reduce_min3A_1069 : vector<4096xf32> to vector<4096x1xf32>
    %eq3A_1071 = vector.broadcast %broadcast_in_dim3A_1070 : vector<4096x1xf32> to vector<4096x128xf32>
    %eq3A_1072 = arith.cmpf oeq, %min3A_1065, %eq3A_1071 : vector<4096x128xf32>
    %jit3A = arith.constant 8.192000e+03 : f32
    %broadcast_in_dim3A_1073 = vector.broadcast %jit3A : f32 to vector<4096x128xf32>
    %select_n3A_1074 = arith.select %eq3A_1072, %select_n3A_1068, %broadcast_in_dim3A_1073 : vector<4096x128xi1>, vector<4096x128xf32>
    %reduce_min3A_1075 = arith.constant dense<0x7F800000> : vector<4096xf32>
    %reduce_min3A_1076 = vector.multi_reduction <minimumf>, %select_n3A_1074, %reduce_min3A_1075 [1] : vector<4096x128xf32> to vector<4096xf32>
    %convert_element_type3A_1077 = arith.fptosi %reduce_min3A_1076 : vector<4096xf32> to vector<4096xi32>
    %swap3A = arith.constant 0 : index
    %swap3A_1078 = arith.constant 0 : index
    %swap3A_1079 = arith.constant 0 : index
    %swap3A_1080 = vector.load %arg3[%swap3A, %swap3A_1078, %swap3A_1079] : memref<1x1x4096xi32, #tpu.memory_space<vmem>>, vector<1x1x4096xi32>
    %swap3A_1081 = vector.shape_cast %swap3A_1080 : vector<1x1x4096xi32> to vector<4096xi32>
    %swap3A_1082 = vector.shape_cast %convert_element_type3A_1077 : vector<4096xi32> to vector<1x1x4096xi32>
    tpu.vector_store %arg3[%swap3A, %swap3A_1078, %swap3A_1079], %swap3A_1082 {strides = array<i32>} : memref<1x1x4096xi32, #tpu.memory_space<vmem>>, vector<1x1x4096xi32>,
    return
  }
  func.func @transform_0(%arg0: i32) -> (i32, i32) {
    %c0_i32 = arith.constant 0 : i32
    %c0_i32_0 = arith.constant 0 : i32
    return %arg0, %c0_i32 : i32, i32
  }
  func.func @transform_1(%arg0: i32) -> (i32, i32) {
    %c0_i32 = arith.constant 0 : i32
    %c0_i32_0 = arith.constant 0 : i32
    %c0_i32_1 = arith.constant 0 : i32
    return %c0_i32, %c0_i32_0 : i32, i32
  }
  func.func @transform_2(%arg0: i32) -> (i32, i32, i32) {
    %c0_i32 = arith.constant 0 : i32
    %c0_i32_0 = arith.constant 0 : i32
    %c0_i32_1 = arith.constant 0 : i32
    return %arg0, %c0_i32, %c0_i32_0 : i32, i32, i32
  }
}

</mosaic_0001>

<sc_bundles>
// kernel: kernel.4.cloned.1.call-start
scs
__scs_entry_jumppad:
0x0: {  	(pc) =	sbr.rel $0x88, $3  }
0x1: {  	(tag) =	ssettag $0x0;
	lr =	simm.s32 $0x1  }
0x2: {  	[smem:$0x3F9F] =	sst lr;
	_ =	strace $0xD0000000  }
0x3: {  	_ = 	snop  }
0x4: {  	_ = 	snop  }
0x5: {  	_ = 	snop  }
0x6: {  	_ = 	snop  }
0x7: {  	_ = 	snop  }
__scs_overlays_trampoline_lowered:
0x8: {  	[smem:$0x3FAE] =	sst s0  }
0x9: {  	[smem:$0x3FAF] =	sst s1  }
0xa: {  	[smem:$0x3FB0] =	sst s2  }
0xb: {  	[smem:$0x3FB1] =	sst s3  }
0xc: {  	[smem:$0x3FB2] =	sst s4  }
0xd: {  	[smem:$0x3FB3] =	sst s5  }
0xe: {  	[smem:$0x3FB4] =	sst s6  }
0xf: {  	[smem:$0x3FB5] =	sst s7  }
0x10: {  	[smem:$0x3FB6] =	sst s8  }
0x11: {  	[smem:$0x3FB7] =	sst s9;
	s0 =	simm.s32 @!p0 $0x0  }
0x12: {  	s1 =	sld [smem:$0x3F9D];
	s0 =	simm.s32 @p0 $0x1  }
0x13: {  	[smem:$0x3FB8] =	sst s0;
	s0 =	simm.s32 @!p1 $0x0  }
0x14: {  	s2 =	sld [smem:$0x3F9C];
	s0 =	simm.s32 @p1 $0x1  }
0x15: {  	[smem:$0x3FB9] =	sst s0;
	s0 =	simm.s32 @!p2 $0x0  }
0x16: {  	s3 =	sld [smem:$0x3FDB];
	s0 =	simm.s32 @p2 $0x1  }
0x17: {  	s4 =	simm.s32 $0x1BF5;
	[smem:$0x3FBB] =	sst s0  }
0x18: {  	s0 =	sld [smem:$0x3F9E];
	_ =	swait.ge [sflag:s4], $0x0  }
0x19: {  	s7 =	sld [smem:$0x3F9F]  }
0x1a: {  	s8 =	sadd.s32 $0xFFFFE003, lr  }
0x1b: {  	s9 =	sadd.s32 $0xFFFFFEF7, lr;
	s5 =	simm.s32 $0xFFFFFFFF;
	p2 =	slt.u32 s8, $0xFFFFF086  }
0x1c: {  	p1 =	slt.u32 s9, $0xF7A;
	s5 =	simm.s32 @!p2 $0x0  }
0x1d: {  	s5 =	simm.s32 @p1 $0x1;
	p0 =	seq.s32 s7, s2  }
0x1e: {  	s7 =	smul.u32 @!p0 $0xF7A, s2;
	p2 =	seq.s32 @!p0 s5, $0x0  }
0x1f: {  	s9 =	smul.u32 $0xF7A, s1;
	s8 =	simm.s32 @!p0 $0x1BF5;
	p2 =	por !p2, p0  }
0x20: {  	[sflag:s8] =	ssyncset.s32 @!p0 $0xFFFFF086;
	s6 =	sadd.s32 @!p0 s3, s7;
	s7 =	simm.s32 @!p0 $0x108  }
0x21: {  	s3 =	sadd.s32 s3, s9;
	s6 =	sadd.s32 @!p0 $0x88, s6;
	s7 =	simm.s32 @p2 $0x1082  }
0x22: {  	[simem:s7], [sflag:s8] =	dma.local @!p0 [hbm:s6], $0xF7A  }
0x23: {  	s9 =	sor.u32 $0xD0000000, s2;
	s6 =	simm.s32 $0x108;
	_ =	swait.ge @!p0 [sflag:s8], $0x0  }
0x24: {  	s3 =	sadd.s32 $0x88, s3;
	s6 =	simm.s32 @!p1 $0x1082;
	[sflag:s4] =	ssyncset.s32 $0xFFFFF086  }
0x25: {  	[simem:s6], [sflag:s4] =	dma.local [hbm:s3], $0xF7A  }
0x26: {  	[smem:$0x3F9F] =	sst s1;
	(tag) =	ssettag s2;
	_ =	strace s9  }
0x27: {  	s1 =	sld [smem:$0x3FAF]  }
0x28: {  	s2 =	sld [smem:$0x3FB0]  }
0x29: {  	s4 =	sld [smem:$0x3FB2]  }
0x2a: {  	p0 =	seq.s32 s5, $0x0;
	s5 =	sld [smem:$0x3FB3]  }
0x2b: {  	s6 =	sld [smem:$0x3FB4]  }
0x2c: {  	s7 =	sld [smem:$0x3FB5]  }
0x2d: {  	s3 =	simm.s32 $0x108;
	s8 =	sld [smem:$0x3FB6]  }
0x2e: {  	s3 =	simm.s32 @!p0 $0x1082;
	s9 =	sld [smem:$0x3FB7]  }
0x2f: {  	lr =	sadd.s32 s0, s3;
	s0 =	sld [smem:$0x3FAE]  }
0x30: {  	s3 =	sld [smem:$0x3FB1]  }
0x31: {  	[smem:$0x3FBA] =	sst s10  }
0x32: {  	s10 =	sld [smem:$0x3FB8];
	_ =	sdelay $0x3  }
0x33: {  	p0 =	seq.s32 s10, $0x1;
	s10 =	sld [smem:$0x3FBA];
	_ =	sdelay $0x3  }
0x34: {  	[smem:$0x3FBA] =	sst s10  }
0x35: {  	s10 =	sld [smem:$0x3FB9];
	_ =	sdelay $0x3  }
0x36: {  	p1 =	seq.s32 s10, $0x1;
	s10 =	sld [smem:$0x3FBA];
	_ =	sdelay $0x3  }
0x37: {  	[smem:$0x3FBA] =	sst s10  }
0x38: {  	s10 =	sld [smem:$0x3FBB]  }
0x39: {  	_ = 	snop;
	(pc) =	sbr.ind lr, $3  }
0x3a: {  	_ = 	snop  }
0x3b: {  	_ = 	snop  }
0x3c: {  	p2 =	seq.s32 s10, $0x1;
	s10 =	sld [smem:$0x3FBA]  }
0x3d: {  	_ =	shalt  }
0x3e: {  	_ =	shalt  }
0x3f: {  	_ =	shalt  }
0x40: {  	_ =	shalt  }
0x41: {  	_ =	shalt  }
0x42: {  	_ =	shalt  }
0x43: {  	_ =	shalt  }
0x44: {  	_ =	shalt  }
0x45: {  	_ =	shalt  }
0x46: {  	_ =	shalt  }
0x47: {  	_ =	shalt  }
0x48: {  	_ =	shalt  }
0x49: {  	_ =	shalt  }
0x4a: {  	_ =	shalt  }
0x4b: {  	_ =	shalt  }
0x4c: {  	_ =	shalt  }
0x4d: {  	_ =	shalt  }
0x4e: {  	_ =	shalt  }
0x4f: {  	_ =	shalt  }
0x50: {  	_ =	shalt  }
0x51: {  	_ =	shalt  }
0x52: {  	_ =	shalt  }
0x53: {  	_ =	shalt  }
0x54: {  	_ =	shalt  }
0x55: {  	_ =	shalt  }
0x56: {  	_ =	shalt  }
0x57: {  	_ =	shalt  }
0x58: {  	_ =	shalt  }
0x59: {  	_ =	shalt  }
0x5a: {  	_ =	shalt  }
0x5b: {  	_ =	shalt  }
0x5c: {  	_ =	shalt  }
0x5d: {  	_ =	shalt  }
0x5e: {  	_ =	shalt  }
0x5f: {  	_ =	shalt  }
0x60: {  	_ =	shalt  }
0x61: {  	_ =	shalt  }
0x62: {  	_ =	shalt  }
0x63: {  	_ =	shalt  }
0x64: {  	_ =	shalt  }
0x65: {  	_ =	shalt  }
0x66: {  	_ =	shalt  }
0x67: {  	_ =	shalt  }
0x68: {  	_ =	shalt  }
0x69: {  	_ =	shalt  }
0x6a: {  	_ =	shalt  }
0x6b: {  	_ =	shalt  }
0x6c: {  	_ =	shalt  }
0x6d: {  	_ =	shalt  }
0x6e: {  	_ =	shalt  }
0x6f: {  	_ =	shalt  }
0x70: {  	_ =	shalt  }
0x71: {  	_ =	shalt  }
0x72: {  	_ =	shalt  }
0x73: {  	_ =	shalt  }
0x74: {  	_ =	shalt  }
0x75: {  	_ =	shalt  }
0x76: {  	_ =	shalt  }
0x77: {  	_ =	shalt  }
0x78: {  	_ =	shalt  }
0x79: {  	_ =	shalt  }
0x7a: {  	_ =	shalt  }
0x7b: {  	_ =	shalt  }
0x7c: {  	_ =	shalt  }
0x7d: {  	_ =	shalt  }
0x7e: {  	_ =	shalt  }
0x7f: {  	_ =	shalt  }
0x80: {  	_ =	shalt  }
0x81: {  	_ =	shalt  }
0x82: {  	_ =	shalt  }
0x83: {  	_ =	shalt  }
0x84: {  	_ =	shalt  }
0x85: {  	_ =	shalt  }
0x86: {  	_ =	shalt  }
0x87: {  	_ =	shalt  }
.Lfunc_end0:
.L_simem_size_0:
called_computation_lowered:
.L_overlay_start_0:
0x88: {  	s2 =	sld [smem:$0x3FD9]  }
0x89: {  	s3 =	sld [smem:$0x3FFE];
	_ =	sdelay $0x1  }
0x8a: {  	s1 =	srdreg.scid  }
0x8b: {  	s0 =	sand.u32 $0x1, s1  }
0x8c: {  	s17 =	sshll.u32 s0, $0xA;
	s2 =	sadd.s32 s3, s2  }
0x8d: {  	s2 =	sadd.s32 s2, s17  }
0x8e: {  	[smem:$0x3FC6] =	sst s2  }
0x8f: {  	_ = 	snop  }
0x90: {  	s2 =	sld [smem:$0x3FD0];
	(tm) =	ssettm $0x1  }
0x91: {  	s18 =	sld [smem:$0x3FFB];
	_ =	sdelay $0x3  }
0x92: {  	_ =	strace s18  }
0x93: {  	s3 =	sld [smem:$0x3FFC];
	_ =	sdelay $0x3  }
0x94: {  	_ =	strace s3  }
0x95: {  	s3 =	sld [smem:$0x3FFD];
	_ =	sdelay $0x3  }
0x96: {  	_ =	strace s3  }
0x97: {  	_ =	strace $0x8FFFFFFF  }
0x98: {  	s19 =	sld [smem:$0x3FDB];
	_ =	sdelay $0x1  }
0x99: {  	s4 =	simm.s32 $_scs_section_size  }
0x9a: {  	s5 =	simm.s32 $_size__tile_overlayer_lowered;
	s6 =	simm.s32 $_tile_overlayer_lowered  }
0x9b: {  	s22 =	simm.s32 $0x1BFF;
	s21 =	sshll.u32 s6, $0x1;
	s3 =	sadd.s32 s4, s19  }
0x9c: {  	s7 =	simm.s32 $0x0;
	s20 =	sshll.u32 s5, $0x1;
	s5 =	sadd.s32 s21, s3  }
0x9d: {  	[timem:s7], [sflag:s22] =	dma.local [hbm:s5], s20  }
0x9e: {  	_ =	swait.ge [sflag:s22], s20  }
0x9f: {  	s4 =	ssub.s32 $0x0, s20;
	[sflag:s22] =	ssyncset.done $0x0  }
0xa0: {  	[sflag:s22] =	ssyncadd.s32 s4;
	_ =	sdelay $0x1  }
0xa1: {  	s23 =	simm.s32 $0x1B8B  }
0xa2: {  	_ =	swait.ge [sflag:s23], $0x1  }
0xa3: {  	[sflag:s23] =	ssyncset.done $0x0  }
0xa4: {  	s25 =	simm.s32 $0x1B8E;
	s24 =	sld [smem:$0x3FFE];
	[sflag:s23] =	ssyncadd.s32 $0xFFFFFFFF  }
0xa5: {  	s26 =	simm.s32 $execute0_lowered;
	[smem:$0x3FD2] =	sst s25  }
0xa6: {  	s5 =	sshll.u32 s26, $0x1;
	_ =	strace $0x80000046;
	[dreg:$0x1] =	wrdreg $0xFFFFFFFF  }
0xa7: {  	s28 =	simm.s32 $_size_execute0_lowered;
	s3 =	sadd.s32 s3, s5;
	[dreg:$0x0] =	wrdreg $0x0  }
0xa8: {  	s5 =	sshll.u32 s28, $0x1;
	[dreg:$0x2] =	wrdreg s3  }
0xa9: {  	[dreg:$0x3] =	wrdreg s5  }
0xaa: {  	[dreg:$0x4] =	wrdreg $0xC0  }
0xab: {  	_ =	task [dreg:s7], $0x5FFFF  }
0xac: {  	[dreg:$0x1] =	wrdreg $0xFFFFFFFF  }
0xad: {  	[dreg:$0x0] =	wrdreg $0x60  }
0xae: {  	[dreg:$0x2] =	wrdreg s24  }
0xaf: {  	[dreg:$0x3] =	wrdreg s2  }
0xb0: {  	[dreg:$0x4] =	wrdreg $0x9  }
0xb1: {  	_ =	task.clear_ibuf [dreg:s7], $0x5FFFF;
	_ =	strace $0x90000046  }
0xb2: {  	s29 =	simm.s32 $0x9;
	_ =	strace $0x80000048  }
0xb3: {  	_ =	swait.ge [sflag:s29], $0x1  }
0xb4: {  	[sflag:s29] =	ssyncadd.s32 $0xFFFFFFFF  }
0xb5: {  	_ =	strace $0x90000048  }
0xb6: {  	_ =	sfence  }
0xb7: {  	s30 =	sld [smem:$0x0];
	_ =	sdelay $0x2  }
0xb8: {  	s31 =	sshll.u32 s1, $0xD;
	s1 =	sshrl.u32 s1, $0x2  }
0xb9: {  	s3 =	sand.u32 $0x4000, s31;
	s1 =	sadd.s32 s1, s30  }
0xba: {  	s0 =	sor.u32 s3, s0;
	s1 =	sshll.u32 s1, $0x11  }
0xbb: {  	s0 =	sor.u32 s1, s0  }
0xbc: {  	s0 =	sadd.s32 $0x8F2B, s0  }
0xbd: {  	[sflag:s0] =	ssyncadd.remote.s32 $0x1  }
0xbe: {  	_ =	sfence.sel $0xFFFF  }
0xbf: {  	[dreg:$0x0] =	wrdreg $0xFFFFFFFF;
	(pc) =	sbr.abs _section_cstart, $3  }
0xc0: {  	[dreg:$0x1] =	wrdreg $0xFFFFFFFF  }
0xc1: {  	_ =	task.clear_ibuf [dreg:s7], $0x2FFFF;
	_ =	strace $0x9FFFFFFF  }
0xc2: {  	(tm) =	ssettm $0x7FFFFFFF  }
0xc3: {  	_ =	shalt  }
tec
execute0_lowered:
.L_overlay_start_1:
0x0: {  	(tag) =	ssettag $0x1  }
0x1: {  	s1 =	srdreg.scid;
	s0 =	stileid.u32  }
0x2: {  	s5 =	rddreg [dreg:$0x0];
	s14 =	sand.u32 $0x1, s1;
	s29 =	sshll.u32 s0, $0x1  }
0x3: {  	s15 =	rddreg [dreg:$0x1];
	s16 =	sor.u32 s14, s29  }
0x4: {  	s2 =	simm.s32 $0x0;
	s1 =	rddreg [dreg:$0x2];
	s3 =	sshll.u32 s16, $0x6  }
0x5: {  	[smem:$0x7FF] =	sst s2;
	s3 =	sadd.s32 s3, s5  }
0x6: {  	_ =	strace $0x80000047;
	s4 =	sadd.s32 $0x8800, s3;
	s3 =	simm.s32 $0x2  }
0x7: {  	[tilespmem:s2], [sflag:$0x2] =	stream.linear.gather [hbm4b:s4+s2], $0x200, $0x38;
	[tilespmem:$0x4200] =	vst v63  }
0x8: {  	_ =	swait.ge [sflag:s3], $0x200  }
0x9: {  	s6 =	simm.s32 $0x80;
	[sflag:s3] =	ssyncset.done $0x0  }
0xa: {  	s7 =	simm.s32 $0x200;
	s5 =	sadd.s32 $0x800, s5;
	[sflag:s3] =	ssyncadd.s32 $0xFFFFFE00  }
0xb: {  	[tilespmem:s7], [sflag:$0x1] =	stream.indirect.gather [hbm4b:s5+s6], $0x20, s2, s6, $0xb8;
	[tilespmem:$0x4200] =	vst v63  }
0xc: {  	s8 =	simm.s32 $0x1200  }
0xd: {  	[tilespmem:s8], [sflag:$0x1] =	stream.indirect.gather [hbm4b:s5+s6], $0x20, s6, s6, $0xb8;
	[tilespmem:$0x4200] =	vst v63  }
0xe: {  	s9 =	simm.s32 $0x100;
	s10 =	simm.s32 $0x2200  }
0xf: {  	[tilespmem:s10], [sflag:$0x1] =	stream.indirect.gather [hbm4b:s5+s6], $0x20, s9, s6, $0xb8;
	[tilespmem:$0x4200] =	vst v63  }
0x10: {  	s11 =	simm.s32 $0x180;
	s12 =	simm.s32 $0x3200;
	s13 =	simm.s32 $0x1  }
0x11: {  	[tilespmem:s12], [sflag:$0x1] =	stream.indirect.gather [hbm4b:s5+s6], $0x20, s11, s6, $0xb8;
	[tilespmem:$0x4200] =	vst v63  }
0x12: {  	_ =	swait.ge [sflag:s13], $0x1000  }
0x13: {  	[sflag:s13] =	ssyncset.done $0x0  }
0x14: {  	[sflag:s13] =	ssyncadd.s32 $0xFFFFF000  }
0x15: {  	_ =	swait.ge [sflag:s13], $0x1000  }
0x16: {  	[sflag:s13] =	ssyncset.done $0x0  }
0x17: {  	s14 =	ssub.s32 $0x2, s14;
	[sflag:s13] =	ssyncadd.s32 $0xFFFFF000  }
0x18: {  	s17 =	sshrl.u32 s14, $0x1;
	_ =	swait.ge [sflag:s13], $0x1000  }
0x19: {  	s17 =	ssub.s32 s14, s17;
	[sflag:s13] =	ssyncset.done $0x0  }
0x1a: {  	s31 =	smax.u32 s17, $0x1;
	[sflag:s13] =	ssyncadd.s32 $0xFFFFF000  }
0x1b: {  	p0 =	sne.s32 s31, $0x1;
	_ =	swait.ge [sflag:s13], $0x1000  }
.Ltmp0:
0x1c: {  	s30 =	sshll.u32 s16, $0xB;
	[sflag:s13] =	ssyncset.done $0x0;
	(pc) =	sbr.rel @!p0 .LBB2_2-.Ltmp0, $4  }
0x1d: {  	s14 =	sadd.s32 s15, s30;
	[sflag:s13] =	ssyncadd.s32 $0xFFFFF000  }
0x1e: {  	[hbm4b:s14+s2] =	stream.linear.scatter [tilespmem:s7], [sflag:$0x2], $0x4000, $0x38;
	[tilespmem:$0x4200] =	vst v63  }
0x1f: {  	_ =	swait.ge [sflag:s3], $0x4000  }
0x20: {  	s15 =	sadd.s32 $0xFFFFFFFF, s31;
	[sflag:s3] =	ssyncset.done $0x0  }
.LBB2_1:
0x21: {  	p0 =	sne.s32 s15, $0x1;
	s15 =	sadd.s32 $0xFFFFFFFF, s15;
	[sflag:s3] =	ssyncadd.s32 $0xFFFFC000  }
0x22: {  	[tilespmem:s2], [sflag:$0x2] =	stream.linear.gather [hbm4b:s4+s2], $0x200, $0x38;
	[tilespmem:$0x4200] =	vst v63  }
0x23: {  	_ =	swait.ge [sflag:s3], $0x200  }
0x24: {  	[sflag:s3] =	ssyncset.done $0x0  }
0x25: {  	[sflag:s3] =	ssyncadd.s32 $0xFFFFFE00  }
0x26: {  	[tilespmem:s7], [sflag:$0x1] =	stream.indirect.gather [hbm4b:s5+s6], $0x20, s2, s6, $0xb8;
	[tilespmem:$0x4200] =	vst v63  }
0x27: {  	_ = 	snop  }
0x28: {  	[tilespmem:s8], [sflag:$0x1] =	stream.indirect.gather [hbm4b:s5+s6], $0x20, s6, s6, $0xb8;
	[tilespmem:$0x4200] =	vst v63  }
0x29: {  	_ = 	snop  }
0x2a: {  	[tilespmem:s10], [sflag:$0x1] =	stream.indirect.gather [hbm4b:s5+s6], $0x20, s9, s6, $0xb8;
	[tilespmem:$0x4200] =	vst v63  }
0x2b: {  	_ = 	snop  }
0x2c: {  	[tilespmem:s12], [sflag:$0x1] =	stream.indirect.gather [hbm4b:s5+s6], $0x20, s11, s6, $0xb8;
	[tilespmem:$0x4200] =	vst v63  }
0x2d: {  	_ =	swait.ge [sflag:s13], $0x1000  }
0x2e: {  	[sflag:s13] =	ssyncset.done $0x0  }
0x2f: {  	[sflag:s13] =	ssyncadd.s32 $0xFFFFF000  }
0x30: {  	_ =	swait.ge [sflag:s13], $0x1000  }
0x31: {  	[sflag:s13] =	ssyncset.done $0x0  }
0x32: {  	[sflag:s13] =	ssyncadd.s32 $0xFFFFF000  }
0x33: {  	_ =	swait.ge [sflag:s13], $0x1000  }
0x34: {  	[sflag:s13] =	ssyncset.done $0x0  }
0x35: {  	[sflag:s13] =	ssyncadd.s32 $0xFFFFF000  }
0x36: {  	_ =	swait.ge [sflag:s13], $0x1000  }
.Ltmp1:
0x37: {  	[sflag:s13] =	ssyncset.done $0x0;
	(pc) =	sbr.rel @p0 .LBB2_1-.Ltmp1, $4  }
0x38: {  	[sflag:s13] =	ssyncadd.s32 $0xFFFFF000  }
0x39: {  	[hbm4b:s14+s2] =	stream.linear.scatter [tilespmem:s7], [sflag:$0x2], $0x4000, $0x38;
	[tilespmem:$0x4200] =	vst v63  }
0x3a: {  	_ =	swait.ge [sflag:s3], $0x4000  }
0x3b: {  	[sflag:s3] =	ssyncset.done $0x0  }
.LBB2_2:
0x3c: {  	[sflag:s3] =	ssyncadd.s32 $0xFFFFC000  }
0x3d: {  	_ =	sfence.sel $0x180000  }
0x3e: {  	[bflag:$0x0] =	sbarrier.arrive $0xFFFF  }
0x3f: {  	p0 =	sne.s32 s0, $0x0;
	_ =	strace $0x90000047  }
0x40: {  	s0 =	sadd.s32 @!p0 $0x100000, s1;
	[bflag:$0x2] =	sbarrier.arrive $0xFFFF  }
0x41: {  	[sflag:s0] =	ssyncadd.tile.s32 @!p0 $0x1;
	_ =	shalt  }
.Lfunc_end2:
_tile_overlayer_lowered:
.L_overlay_start_2:
0x42: {  	(tag) =	ssettag $0x2  }
0x43: {  	s0 =	rddreg [dreg:$0x0];
	s2 =	stileid.u32  }
0x44: {  	s1 =	rddreg [dreg:$0x1];
	p0 =	sne.s32 s2, $0x0  }
0x45: {  	s3 =	rddreg [dreg:$0x2];
	[bflag:$0x3] =	sbarrier.arrive $0xFFFF;
	s2 =	simm.s32 @!p0 $0x1C02  }
0x46: {  	[timem:s3], [sflag:s2] =	dma.local @!p0 [hbm:s0], s1  }
0x47: {  	s0 =	simm.s32 @!p0 $0x2  }
0x48: {  	_ =	swait.ge @!p0 [sflag:s0], s1  }
0x49: {  	s1 =	ssub.s32 @!p0 $0x0, s1;
	[sflag:s0] =	ssyncset.done @!p0 $0x0  }
0x4a: {  	[sflag:s0] =	ssyncadd.s32 @!p0 s1  }
0x4b: {  	[bflag:$0x3] =	sbarrier.arrive $0xFFFF  }
0x4c: {  	_ =	shalt  }

</sc_bundles>
